<compile_context>
chip_gen: v7x
topology: tpu7x:2x2x1
jax: 0.10.2.dev20260603
libtpu: 0.0.44.dev20260713+nightly
codegen_flags: <defaults>
</compile_context>

<pallas_src>
import functools

import numpy as np
import jax
import jax.numpy as jnp
from jax import lax
from jax.experimental import pallas as pl
from jax.experimental.pallas import tpu as pltpu
from jax.experimental.pallas import tpu_sc as plsc

_DIM = 96
_K = 9
_WIN = 2 * _K + 1
_N = 112 * 112
_B = 2
_RB = 896
_NBLK = _N // _RB
_NP = _N + 2 * _RB
_NW = 32
_CHUNK = _N // _NW
_OFF = 16
_HALO = _CHUNK + 32
_G = _DIM // 16


def _dinv_np():
    n = np.arange(_N)
    deg = np.minimum(n, _K) + np.minimum(_N - 1 - n, _K) + 1
    return (1.0 / np.sqrt(deg)).astype(np.float32)


_DINV16 = np.repeat(_dinv_np()[:, None], 16, axis=1)


def _lin_body(x_ref, w_ref, o_ref):
    j = pl.program_id(1)
    rows = (j - 1) * _RB + lax.broadcasted_iota(jnp.int32, (_RB, 1), 0)
    deg = jnp.minimum(rows, _K) + jnp.minimum((_N - 1) - rows, _K) + 1
    dinv = lax.rsqrt(jnp.maximum(deg, 1).astype(jnp.float32))
    yb = lax.dot_general(x_ref[0], w_ref[...],
                         dimension_numbers=(((0,), (0,)), ((), ())),
                         preferred_element_type=jnp.float32)
    valid = jnp.logical_and(j >= 1, j <= _NBLK)
    o_ref[0] = jnp.where(valid, yb * dinv, 0.0)


def _linear_stage(x_cn, w):
    return pl.pallas_call(
        _lin_body,
        grid=(_B, _NBLK + 2),
        in_specs=[
            pl.BlockSpec((1, _DIM, _RB),
                         lambda bi, j: (bi, 0, jnp.clip(j - 1, 0, _NBLK - 1))),
            pl.BlockSpec((_DIM, _DIM), lambda bi, j: (0, 0)),
        ],
        out_specs=pl.BlockSpec((1, _RB, _DIM), lambda bi, j: (bi, j, 0)),
        out_shape=jax.ShapeDtypeStruct((_B, _NP, _DIM), jnp.float32),
    )(x_cn, w)


def _agg_body(y_ref, dinv_ref, b_ref, out_ref, ybuf, dbuf, bbuf, obuf):
    wid = lax.axis_index("s") * 2 + lax.axis_index("c")
    st = wid * _CHUNK
    pltpu.sync_copy(b_ref, bbuf)
    pltpu.sync_copy(dinv_ref.at[pl.ds(st * 16, _CHUNK * 16)], dbuf)
    bias = [bbuf[pl.ds(g * 16, 16)] for g in range(_G)]
    lo = _OFF - _K
    for bi in range(_B):
        pltpu.sync_copy(y_ref.at[bi, pl.ds(_RB + st - _OFF, _HALO), :], ybuf)
        z = [ybuf[lo, pl.ds(g * 16, 16)] for g in range(_G)]
        for r in range(lo + 1, lo + _WIN):
            for g in range(_G):
                z[g] = z[g] + ybuf[r, pl.ds(g * 16, 16)]

        def body(i, z):
            dv = dbuf[pl.ds(i * 16, 16)]
            for g in range(_G):
                obuf[i, pl.ds(g * 16, 16)] = z[g] * dv + bias[g]
            return tuple(
                z[g] + ybuf[i + lo + _WIN, pl.ds(g * 16, 16)]
                - ybuf[i + lo, pl.ds(g * 16, 16)]
                for g in range(_G))

        lax.fori_loop(0, _CHUNK, body, tuple(z))
        pltpu.sync_copy(obuf, out_ref.at[bi, pl.ds(st, _CHUNK), :])


@functools.lru_cache(maxsize=1)
def _agg_stage():
    return functools.partial(
        pl.kernel,
        out_type=jax.ShapeDtypeStruct((_B, _N, _DIM), jnp.float32),
        mesh=plsc.VectorSubcoreMesh(core_axis_name="c", subcore_axis_name="s"),
        scratch_types=[
            pltpu.VMEM((_HALO, _DIM), jnp.float32),
            pltpu.VMEM((_CHUNK * 16,), jnp.float32),
            pltpu.VMEM((_DIM,), jnp.float32),
            pltpu.VMEM((_CHUNK, _DIM), jnp.float32),
        ],
    )(_agg_body)


def kernel(x, W, b):
    B, C, H, Wd = x.shape
    N = H * Wd
    x1 = x.reshape(B, C, N).transpose(0, 2, 1).reshape(B, C, N)
    y_pad = _linear_stage(x1, W)
    out_nc = _agg_stage()(y_pad, jnp.asarray(_DINV16.reshape(-1)), b)
    return out_nc.transpose(0, 2, 1).reshape(B, C, H, Wd)

# --- scband reference (transcript-rebuilt; emitter-appended) ---
"""Pipeline reference for scband-graph-operation-4045859192917 (READ-ONLY COPY).

The authoritative reference and input builder live on the scoring server;
editing this copy changes nothing except your own understanding.
"""

import jax, jax.numpy as jnp
import numpy as np

DIM = 96
K = 9


def _build_edge_index(N, k):
    # faithful to torch build_graph: for each i, neighbors in [max(0,i-k), min(N,i+k+1)) excluding i
    i = np.arange(N)
    offs = np.concatenate([np.arange(-k, 0), np.arange(1, k + 1)])
    src = np.repeat(i, 2 * k)
    dst = (i[:, None] + offs[None, :]).ravel()
    mask = (dst >= 0) & (dst < N)
    return np.stack([src[mask], dst[mask]]).astype(np.int64)


def setup_inputs(seed: int = 0):
    key = jax.random.key(seed)
    k1, k2, k3 = jax.random.split(key, 3)
    B, C, H, W = 2, DIM, 112, 112
    x = jax.random.normal(k1, (B, C, H, W), dtype=jnp.float32)
    Wg = jax.random.normal(k2, (DIM, DIM), dtype=jnp.float32) * (1.0 / np.sqrt(DIM))
    b = jnp.zeros((DIM,), dtype=jnp.float32)
    return {"x": x, "W": Wg, "b": b}


def _gcn_conv(x, W, b, edge_index, N):
    # PyG GCNConv semantics: lin (no bias) -> gcn_norm (add self loops, sym norm) -> scatter-add -> + bias
    # x: (B, N, C); node_dim = -2 so batched broadcasting matches PyG
    x = x @ W
    row = edge_index[0]
    col = edge_index[1]
    loop = jnp.arange(N, dtype=row.dtype)
    row = jnp.concatenate([row, loop])
    col = jnp.concatenate([col, loop])
    deg = jnp.zeros((N,), dtype=x.dtype).at[col].add(jnp.ones(col.shape[0], dtype=x.dtype))
    dinv = jnp.where(deg > 0, deg ** -0.5, 0.0)
    norm = dinv[row] * dinv[col]
    msg = x[:, row, :] * norm[None, :, None]
    out = jnp.zeros_like(x).at[:, col, :].add(msg)
    return out + b


def reference(x, W, b):
    B, C, H, Wd = x.shape
    N = H * Wd
    edge_index = jnp.asarray(_build_edge_index(N, K))
    # x.view(B,C,-1).transpose(1,2).reshape(B,C,H,W) in the torch code is a shape round-trip
    # (note: it permutes data in torch; it is then undone by the symmetric view below only in shape,
    #  but since the graph is translation-structured over flat indices the GCN math is identical
    #  up to the fixed permutation of node features -- we reproduce the exact torch sequence)
    x1 = x.reshape(B, C, N).transpose(0, 2, 1).reshape(B, C, H, Wd)
    xf = x1.reshape(B, C, N).transpose(0, 2, 1)  # (B, N, C)
    out = _gcn_conv(xf, W, b, edge_index, N)
    out = out.transpose(0, 2, 1).reshape(B, C, H, Wd)
    return out

if __name__ == "__main__":
    import jax
    _d = setup_inputs()
    print(jax.jit(kernel)(*tuple(_d.values())))

</pallas_src>

<mosaic_0001>
#map = affine_map<(d0, d1) -> (0, 0, 0)>
#map1 = affine_map<(d0, d1) -> (0)>
module attributes {stable_mosaic.version = 14 : i64} {
  func.func @_agg_body(%arg0: i32, %arg1: i32, %arg2: memref<2x14336x96xf32, #tpu.memory_space<hbm>>, %arg3: memref<200704xf32, #tpu.memory_space<hbm>>, %arg4: memref<96xf32, #tpu.memory_space<hbm>>, %arg5: memref<2x12544x96xf32, #tpu.memory_space<hbm>>, %arg6: memref<424x96xf32, #tpu.memory_space<vmem>>, %arg7: memref<6272xf32, #tpu.memory_space<vmem>>, %arg8: memref<96xf32, #tpu.memory_space<vmem>>, %arg9: memref<392x96xf32, #tpu.memory_space<vmem>>) attributes {dimension_semantics = [#tpu.dimension_semantics<core_parallel>, #tpu.dimension_semantics<subcore_parallel>], iteration_bounds = array<i64: 2, 16>, scalar_prefetch = 0 : i64, scratch_operands = 4 : i64, tpu.core_type = #tpu.core_type<sc_vector_subcore>, window_params = [{transform_indices = #map}, {transform_indices = #map1}, {transform_indices = #map1}, {transform_indices = #map}]} {
    %mul3A = arith.constant 2 : i32
    %mul3A_0 = arith.muli %arg1, %mul3A : i32
    %add3A = arith.addi %mul3A_0, %arg0 : i32
    %mul3A_1 = arith.constant 392 : i32
    %mul3A_2 = arith.muli %add3A, %mul3A_1 : i32
    "tpu.region"() ({
      %run_scoped3A_1399 = tpu.sem_alloc : memref<!tpu.dma_semaphore, #tpu.memory_space<semaphore_mem>>
      tpu.enqueue_dma source(%arg4 : memref<96xf32, #tpu.memory_space<hbm>>) target(%arg8 : memref<96xf32, #tpu.memory_space<vmem>>) target_semaphore(%run_scoped3A_1399 : memref<!tpu.dma_semaphore, #tpu.memory_space<semaphore_mem>>)
      tpu.wait_dma2 semaphore(%run_scoped3A_1399 : memref<!tpu.dma_semaphore, #tpu.memory_space<semaphore_mem>>) src(%arg4 : memref<96xf32, #tpu.memory_space<hbm>>) dst(%arg8 : memref<96xf32, #tpu.memory_space<vmem>>)
      tpu.yield
    }) : () -> ()
    %mul3A_3 = arith.constant 16 : i32
    %mul3A_4 = arith.muli %mul3A_2, %mul3A_3 : i32
    "tpu.region"() ({
      %run_scoped3A_1399 = tpu.sem_alloc : memref<!tpu.dma_semaphore, #tpu.memory_space<semaphore_mem>>
      %dma_start3A = tpu.memref_slice %arg3[%mul3A_4] : memref<200704xf32, #tpu.memory_space<hbm>> -> memref<6272xf32, #tpu.memory_space<hbm>>
      %dma_start3A_1400 = tpu.memref_slice %arg3[%mul3A_4] : memref<200704xf32, #tpu.memory_space<hbm>> -> memref<6272xf32, #tpu.memory_space<hbm>>
      tpu.enqueue_dma source(%dma_start3A_1400 : memref<6272xf32, #tpu.memory_space<hbm>>) target(%arg7 : memref<6272xf32, #tpu.memory_space<vmem>>) target_semaphore(%run_scoped3A_1399 : memref<!tpu.dma_semaphore, #tpu.memory_space<semaphore_mem>>)
      %dma_wait3A = tpu.memref_slice %arg3[%mul3A_4] : memref<200704xf32, #tpu.memory_space<hbm>> -> memref<6272xf32, #tpu.memory_space<hbm>>
      %dma_wait3A_1401 = tpu.memref_slice %arg3[%mul3A_4] : memref<200704xf32, #tpu.memory_space<hbm>> -> memref<6272xf32, #tpu.memory_space<hbm>>
      tpu.wait_dma2 semaphore(%run_scoped3A_1399 : memref<!tpu.dma_semaphore, #tpu.memory_space<semaphore_mem>>) src(%dma_wait3A_1401 : memref<6272xf32, #tpu.memory_space<hbm>>) dst(%arg7 : memref<6272xf32, #tpu.memory_space<vmem>>)
      tpu.yield
    }) : () -> ()
    %get3A = arith.constant 0 : index
    %get3A_5 = tpu.vector_load %arg8[%get3A] {strides = array<i32>} : memref<96xf32, #tpu.memory_space<vmem>>, vector<16xf32>,
    %get3A_6 = vector.shape_cast %get3A_5 : vector<16xf32> to vector<16xf32>
    %get3A_7 = arith.constant 16 : index
    %get3A_8 = tpu.vector_load %arg8[%get3A_7] {strides = array<i32>} : memref<96xf32, #tpu.memory_space<vmem>>, vector<16xf32>,
    %get3A_9 = vector.shape_cast %get3A_8 : vector<16xf32> to vector<16xf32>
    %get3A_10 = arith.constant 32 : index
    %get3A_11 = tpu.vector_load %arg8[%get3A_10] {strides = array<i32>} : memref<96xf32, #tpu.memory_space<vmem>>, vector<16xf32>,
    %get3A_12 = vector.shape_cast %get3A_11 : vector<16xf32> to vector<16xf32>
    %get3A_13 = arith.constant 48 : index
    %get3A_14 = tpu.vector_load %arg8[%get3A_13] {strides = array<i32>} : memref<96xf32, #tpu.memory_space<vmem>>, vector<16xf32>,
    %get3A_15 = vector.shape_cast %get3A_14 : vector<16xf32> to vector<16xf32>
    %get3A_16 = arith.constant 64 : index
    %get3A_17 = tpu.vector_load %arg8[%get3A_16] {strides = array<i32>} : memref<96xf32, #tpu.memory_space<vmem>>, vector<16xf32>,
    %get3A_18 = vector.shape_cast %get3A_17 : vector<16xf32> to vector<16xf32>
    %get3A_19 = arith.constant 80 : index
    %get3A_20 = tpu.vector_load %arg8[%get3A_19] {strides = array<i32>} : memref<96xf32, #tpu.memory_space<vmem>>, vector<16xf32>,
    %get3A_21 = vector.shape_cast %get3A_20 : vector<16xf32> to vector<16xf32>
    %add3A_22 = arith.constant 896 : i32
    %add3A_23 = arith.addi %add3A_22, %mul3A_2 : i32
    %sub3A = arith.constant 16 : i32
    %sub3A_24 = arith.subi %add3A_23, %sub3A : i32
    %run_scoped3A = arith.constant 0 : i32
    "tpu.region"() ({
      %run_scoped3A_1399 = tpu.sem_alloc : memref<!tpu.dma_semaphore, #tpu.memory_space<semaphore_mem>>
      %dma_start3A = arith.constant 0 : i32
      %dma_start3A_1400 = tpu.memref_slice %arg2[%run_scoped3A, %sub3A_24, %dma_start3A] : memref<2x14336x96xf32, #tpu.memory_space<hbm>> -> memref<1x424x96xf32, #tpu.memory_space<hbm>>
      %dma_start3A_1401 = tpu.memref_squeeze %dma_start3A_1400 : memref<1x424x96xf32, #tpu.memory_space<hbm>> -> memref<424x96xf32, #tpu.memory_space<hbm>>
      %dma_start3A_1402 = arith.constant 0 : i32
      %dma_start3A_1403 = tpu.memref_slice %arg2[%run_scoped3A, %sub3A_24, %dma_start3A_1402] : memref<2x14336x96xf32, #tpu.memory_space<hbm>> -> memref<1x424x96xf32, #tpu.memory_space<hbm>>
      %dma_start3A_1404 = tpu.memref_squeeze %dma_start3A_1403 : memref<1x424x96xf32, #tpu.memory_space<hbm>> -> memref<424x96xf32, #tpu.memory_space<hbm>>
      tpu.enqueue_dma source(%dma_start3A_1404 : memref<424x96xf32, #tpu.memory_space<hbm>>) target(%arg6 : memref<424x96xf32, #tpu.memory_space<vmem>>) target_semaphore(%run_scoped3A_1399 : memref<!tpu.dma_semaphore, #tpu.memory_space<semaphore_mem>>)
      %dma_wait3A = arith.constant 0 : i32
      %dma_wait3A_1405 = tpu.memref_slice %arg2[%run_scoped3A, %sub3A_24, %dma_wait3A] : memref<2x14336x96xf32, #tpu.memory_space<hbm>> -> memref<1x424x96xf32, #tpu.memory_space<hbm>>
      %dma_wait3A_1406 = tpu.memref_squeeze %dma_wait3A_1405 : memref<1x424x96xf32, #tpu.memory_space<hbm>> -> memref<424x96xf32, #tpu.memory_space<hbm>>
      %dma_wait3A_1407 = arith.constant 0 : i32
      %dma_wait3A_1408 = tpu.memref_slice %arg2[%run_scoped3A, %sub3A_24, %dma_wait3A_1407] : memref<2x14336x96xf32, #tpu.memory_space<hbm>> -> memref<1x424x96xf32, #tpu.memory_space<hbm>>
      %dma_wait3A_1409 = tpu.memref_squeeze %dma_wait3A_1408 : memref<1x424x96xf32, #tpu.memory_space<hbm>> -> memref<424x96xf32, #tpu.memory_space<hbm>>
      tpu.wait_dma2 semaphore(%run_scoped3A_1399 : memref<!tpu.dma_semaphore, #tpu.memory_space<semaphore_mem>>) src(%dma_wait3A_1409 : memref<424x96xf32, #tpu.memory_space<hbm>>) dst(%arg6 : memref<424x96xf32, #tpu.memory_space<vmem>>)
      tpu.yield
    }) : () -> ()
    %get3A_25 = arith.constant 7 : i32
    %get3A_26 = arith.index_cast %get3A_25 : i32 to index
    %get3A_27 = arith.constant 0 : index
    %get3A_28 = tpu.vector_load %arg6[%get3A_26, %get3A_27] {strides = array<i32>} : memref<424x96xf32, #tpu.memory_space<vmem>>, vector<1x16xf32>,
    %get3A_29 = vector.shape_cast %get3A_28 : vector<1x16xf32> to vector<16xf32>
    %get3A_30 = arith.constant 7 : i32
    %get3A_31 = arith.index_cast %get3A_30 : i32 to index
    %get3A_32 = arith.constant 16 : index
    %get3A_33 = tpu.vector_load %arg6[%get3A_31, %get3A_32] {strides = array<i32>} : memref<424x96xf32, #tpu.memory_space<vmem>>, vector<1x16xf32>,
    %get3A_34 = vector.shape_cast %get3A_33 : vector<1x16xf32> to vector<16xf32>
    %get3A_35 = arith.constant 7 : i32
    %get3A_36 = arith.index_cast %get3A_35 : i32 to index
    %get3A_37 = arith.constant 32 : index
    %get3A_38 = tpu.vector_load %arg6[%get3A_36, %get3A_37] {strides = array<i32>} : memref<424x96xf32, #tpu.memory_space<vmem>>, vector<1x16xf32>,
    %get3A_39 = vector.shape_cast %get3A_38 : vector<1x16xf32> to vector<16xf32>
    %get3A_40 = arith.constant 7 : i32
    %get3A_41 = arith.index_cast %get3A_40 : i32 to index
    %get3A_42 = arith.constant 48 : index
    %get3A_43 = tpu.vector_load %arg6[%get3A_41, %get3A_42] {strides = array<i32>} : memref<424x96xf32, #tpu.memory_space<vmem>>, vector<1x16xf32>,
    %get3A_44 = vector.shape_cast %get3A_43 : vector<1x16xf32> to vector<16xf32>
    %get3A_45 = arith.constant 7 : i32
    %get3A_46 = arith.index_cast %get3A_45 : i32 to index
    %get3A_47 = arith.constant 64 : index
    %get3A_48 = tpu.vector_load %arg6[%get3A_46, %get3A_47] {strides = array<i32>} : memref<424x96xf32, #tpu.memory_space<vmem>>, vector<1x16xf32>,
    %get3A_49 = vector.shape_cast %get3A_48 : vector<1x16xf32> to vector<16xf32>
    %get3A_50 = arith.constant 7 : i32
    %get3A_51 = arith.index_cast %get3A_50 : i32 to index
    %get3A_52 = arith.constant 80 : index
    %get3A_53 = tpu.vector_load %arg6[%get3A_51, %get3A_52] {strides = array<i32>} : memref<424x96xf32, #tpu.memory_space<vmem>>, vector<1x16xf32>,
    %get3A_54 = vector.shape_cast %get3A_53 : vector<1x16xf32> to vector<16xf32>
    %get3A_55 = arith.constant 8 : i32
    %get3A_56 = arith.index_cast %get3A_55 : i32 to index
    %get3A_57 = arith.constant 0 : index
    %get3A_58 = tpu.vector_load %arg6[%get3A_56, %get3A_57] {strides = array<i32>} : memref<424x96xf32, #tpu.memory_space<vmem>>, vector<1x16xf32>,
    %get3A_59 = vector.shape_cast %get3A_58 : vector<1x16xf32> to vector<16xf32>
    %add3A_60 = arith.addf %get3A_29, %get3A_59 : vector<16xf32>
    %get3A_61 = arith.constant 8 : i32
    %get3A_62 = arith.index_cast %get3A_61 : i32 to index
    %get3A_63 = arith.constant 16 : index
    %get3A_64 = tpu.vector_load %arg6[%get3A_62, %get3A_63] {strides = array<i32>} : memref<424x96xf32, #tpu.memory_space<vmem>>, vector<1x16xf32>,
    %get3A_65 = vector.shape_cast %get3A_64 : vector<1x16xf32> to vector<16xf32>
    %add3A_66 = arith.addf %get3A_34, %get3A_65 : vector<16xf32>
    %get3A_67 = arith.constant 8 : i32
    %get3A_68 = arith.index_cast %get3A_67 : i32 to index
    %get3A_69 = arith.constant 32 : index
    %get3A_70 = tpu.vector_load %arg6[%get3A_68, %get3A_69] {strides = array<i32>} : memref<424x96xf32, #tpu.memory_space<vmem>>, vector<1x16xf32>,
    %get3A_71 = vector.shape_cast %get3A_70 : vector<1x16xf32> to vector<16xf32>
    %add3A_72 = arith.addf %get3A_39, %get3A_71 : vector<16xf32>
    %get3A_73 = arith.constant 8 : i32
    %get3A_74 = arith.index_cast %get3A_73 : i32 to index
    %get3A_75 = arith.constant 48 : index
    %get3A_76 = tpu.vector_load %arg6[%get3A_74, %get3A_75] {strides = array<i32>} : memref<424x96xf32, #tpu.memory_space<vmem>>, vector<1x16xf32>,
    %get3A_77 = vector.shape_cast %get3A_76 : vector<1x16xf32> to vector<16xf32>
    %add3A_78 = arith.addf %get3A_44, %get3A_77 : vector<16xf32>
    %get3A_79 = arith.constant 8 : i32
    %get3A_80 = arith.index_cast %get3A_79 : i32 to index
    %get3A_81 = arith.constant 64 : index
    %get3A_82 = tpu.vector_load %arg6[%get3A_80, %get3A_81] {strides = array<i32>} : memref<424x96xf32, #tpu.memory_space<vmem>>, vector<1x16xf32>,
    %get3A_83 = vector.shape_cast %get3A_82 : vector<1x16xf32> to vector<16xf32>
    %add3A_84 = arith.addf %get3A_49, %get3A_83 : vector<16xf32>
    %get3A_85 = arith.constant 8 : i32
    %get3A_86 = arith.index_cast %get3A_85 : i32 to index
    %get3A_87 = arith.constant 80 : index
    %get3A_88 = tpu.vector_load %arg6[%get3A_86, %get3A_87] {strides = array<i32>} : memref<424x96xf32, #tpu.memory_space<vmem>>, vector<1x16xf32>,
    %get3A_89 = vector.shape_cast %get3A_88 : vector<1x16xf32> to vector<16xf32>
    %add3A_90 = arith.addf %get3A_54, %get3A_89 : vector<16xf32>
    %get3A_91 = arith.constant 9 : i32
    %get3A_92 = arith.index_cast %get3A_91 : i32 to index
    %get3A_93 = arith.constant 0 : index
    %get3A_94 = tpu.vector_load %arg6[%get3A_92, %get3A_93] {strides = array<i32>} : memref<424x96xf32, #tpu.memory_space<vmem>>, vector<1x16xf32>,
    %get3A_95 = vector.shape_cast %get3A_94 : vector<1x16xf32> to vector<16xf32>
    %add3A_96 = arith.addf %add3A_60, %get3A_95 : vector<16xf32>
    %get3A_97 = arith.constant 9 : i32
    %get3A_98 = arith.index_cast %get3A_97 : i32 to index
    %get3A_99 = arith.constant 16 : index
    %get3A_100 = tpu.vector_load %arg6[%get3A_98, %get3A_99] {strides = array<i32>} : memref<424x96xf32, #tpu.memory_space<vmem>>, vector<1x16xf32>,
    %get3A_101 = vector.shape_cast %get3A_100 : vector<1x16xf32> to vector<16xf32>
    %add3A_102 = arith.addf %add3A_66, %get3A_101 : vector<16xf32>
    %get3A_103 = arith.constant 9 : i32
    %get3A_104 = arith.index_cast %get3A_103 : i32 to index
    %get3A_105 = arith.constant 32 : index
    %get3A_106 = tpu.vector_load %arg6[%get3A_104, %get3A_105] {strides = array<i32>} : memref<424x96xf32, #tpu.memory_space<vmem>>, vector<1x16xf32>,
    %get3A_107 = vector.shape_cast %get3A_106 : vector<1x16xf32> to vector<16xf32>
    %add3A_108 = arith.addf %add3A_72, %get3A_107 : vector<16xf32>
    %get3A_109 = arith.constant 9 : i32
    %get3A_110 = arith.index_cast %get3A_109 : i32 to index
    %get3A_111 = arith.constant 48 : index
    %get3A_112 = tpu.vector_load %arg6[%get3A_110, %get3A_111] {strides = array<i32>} : memref<424x96xf32, #tpu.memory_space<vmem>>, vector<1x16xf32>,
    %get3A_113 = vector.shape_cast %get3A_112 : vector<1x16xf32> to vector<16xf32>
    %add3A_114 = arith.addf %add3A_78, %get3A_113 : vector<16xf32>
    %get3A_115 = arith.constant 9 : i32
    %get3A_116 = arith.index_cast %get3A_115 : i32 to index
    %get3A_117 = arith.constant 64 : index
    %get3A_118 = tpu.vector_load %arg6[%get3A_116, %get3A_117] {strides = array<i32>} : memref<424x96xf32, #tpu.memory_space<vmem>>, vector<1x16xf32>,
    %get3A_119 = vector.shape_cast %get3A_118 : vector<1x16xf32> to vector<16xf32>
    %add3A_120 = arith.addf %add3A_84, %get3A_119 : vector<16xf32>
    %get3A_121 = arith.constant 9 : i32
    %get3A_122 = arith.index_cast %get3A_121 : i32 to index
    %get3A_123 = arith.constant 80 : index
    %get3A_124 = tpu.vector_load %arg6[%get3A_122, %get3A_123] {strides = array<i32>} : memref<424x96xf32, #tpu.memory_space<vmem>>, vector<1x16xf32>,
    %get3A_125 = vector.shape_cast %get3A_124 : vector<1x16xf32> to vector<16xf32>
    %add3A_126 = arith.addf %add3A_90, %get3A_125 : vector<16xf32>
    %get3A_127 = arith.constant 10 : i32
    %get3A_128 = arith.index_cast %get3A_127 : i32 to index
    %get3A_129 = arith.constant 0 : index
    %get3A_130 = tpu.vector_load %arg6[%get3A_128, %get3A_129] {strides = array<i32>} : memref<424x96xf32, #tpu.memory_space<vmem>>, vector<1x16xf32>,
    %get3A_131 = vector.shape_cast %get3A_130 : vector<1x16xf32> to vector<16xf32>
    %add3A_132 = arith.addf %add3A_96, %get3A_131 : vector<16xf32>
    %get3A_133 = arith.constant 10 : i32
    %get3A_134 = arith.index_cast %get3A_133 : i32 to index
    %get3A_135 = arith.constant 16 : index
    %get3A_136 = tpu.vector_load %arg6[%get3A_134, %get3A_135] {strides = array<i32>} : memref<424x96xf32, #tpu.memory_space<vmem>>, vector<1x16xf32>,
    %get3A_137 = vector.shape_cast %get3A_136 : vector<1x16xf32> to vector<16xf32>
    %add3A_138 = arith.addf %add3A_102, %get3A_137 : vector<16xf32>
    %get3A_139 = arith.constant 10 : i32
    %get3A_140 = arith.index_cast %get3A_139 : i32 to index
    %get3A_141 = arith.constant 32 : index
    %get3A_142 = tpu.vector_load %arg6[%get3A_140, %get3A_141] {strides = array<i32>} : memref<424x96xf32, #tpu.memory_space<vmem>>, vector<1x16xf32>,
    %get3A_143 = vector.shape_cast %get3A_142 : vector<1x16xf32> to vector<16xf32>
    %add3A_144 = arith.addf %add3A_108, %get3A_143 : vector<16xf32>
    %get3A_145 = arith.constant 10 : i32
    %get3A_146 = arith.index_cast %get3A_145 : i32 to index
    %get3A_147 = arith.constant 48 : index
    %get3A_148 = tpu.vector_load %arg6[%get3A_146, %get3A_147] {strides = array<i32>} : memref<424x96xf32, #tpu.memory_space<vmem>>, vector<1x16xf32>,
    %get3A_149 = vector.shape_cast %get3A_148 : vector<1x16xf32> to vector<16xf32>
    %add3A_150 = arith.addf %add3A_114, %get3A_149 : vector<16xf32>
    %get3A_151 = arith.constant 10 : i32
    %get3A_152 = arith.index_cast %get3A_151 : i32 to index
    %get3A_153 = arith.constant 64 : index
    %get3A_154 = tpu.vector_load %arg6[%get3A_152, %get3A_153] {strides = array<i32>} : memref<424x96xf32, #tpu.memory_space<vmem>>, vector<1x16xf32>,
    %get3A_155 = vector.shape_cast %get3A_154 : vector<1x16xf32> to vector<16xf32>
    %add3A_156 = arith.addf %add3A_120, %get3A_155 : vector<16xf32>
    %get3A_157 = arith.constant 10 : i32
    %get3A_158 = arith.index_cast %get3A_157 : i32 to index
    %get3A_159 = arith.constant 80 : index
    %get3A_160 = tpu.vector_load %arg6[%get3A_158, %get3A_159] {strides = array<i32>} : memref<424x96xf32, #tpu.memory_space<vmem>>, vector<1x16xf32>,
    %get3A_161 = vector.shape_cast %get3A_160 : vector<1x16xf32> to vector<16xf32>
    %add3A_162 = arith.addf %add3A_126, %get3A_161 : vector<16xf32>
    %get3A_163 = arith.constant 11 : i32
    %get3A_164 = arith.index_cast %get3A_163 : i32 to index
    %get3A_165 = arith.constant 0 : index
    %get3A_166 = tpu.vector_load %arg6[%get3A_164, %get3A_165] {strides = array<i32>} : memref<424x96xf32, #tpu.memory_space<vmem>>, vector<1x16xf32>,
    %get3A_167 = vector.shape_cast %get3A_166 : vector<1x16xf32> to vector<16xf32>
    %add3A_168 = arith.addf %add3A_132, %get3A_167 : vector<16xf32>
    %get3A_169 = arith.constant 11 : i32
    %get3A_170 = arith.index_cast %get3A_169 : i32 to index
    %get3A_171 = arith.constant 16 : index
    %get3A_172 = tpu.vector_load %arg6[%get3A_170, %get3A_171] {strides = array<i32>} : memref<424x96xf32, #tpu.memory_space<vmem>>, vector<1x16xf32>,
    %get3A_173 = vector.shape_cast %get3A_172 : vector<1x16xf32> to vector<16xf32>
    %add3A_174 = arith.addf %add3A_138, %get3A_173 : vector<16xf32>
    %get3A_175 = arith.constant 11 : i32
    %get3A_176 = arith.index_cast %get3A_175 : i32 to index
    %get3A_177 = arith.constant 32 : index
    %get3A_178 = tpu.vector_load %arg6[%get3A_176, %get3A_177] {strides = array<i32>} : memref<424x96xf32, #tpu.memory_space<vmem>>, vector<1x16xf32>,
    %get3A_179 = vector.shape_cast %get3A_178 : vector<1x16xf32> to vector<16xf32>
    %add3A_180 = arith.addf %add3A_144, %get3A_179 : vector<16xf32>
    %get3A_181 = arith.constant 11 : i32
    %get3A_182 = arith.index_cast %get3A_181 : i32 to index
    %get3A_183 = arith.constant 48 : index
    %get3A_184 = tpu.vector_load %arg6[%get3A_182, %get3A_183] {strides = array<i32>} : memref<424x96xf32, #tpu.memory_space<vmem>>, vector<1x16xf32>,
    %get3A_185 = vector.shape_cast %get3A_184 : vector<1x16xf32> to vector<16xf32>
    %add3A_186 = arith.addf %add3A_150, %get3A_185 : vector<16xf32>
    %get3A_187 = arith.constant 11 : i32
    %get3A_188 = arith.index_cast %get3A_187 : i32 to index
    %get3A_189 = arith.constant 64 : index
    %get3A_190 = tpu.vector_load %arg6[%get3A_188, %get3A_189] {strides = array<i32>} : memref<424x96xf32, #tpu.memory_space<vmem>>, vector<1x16xf32>,
    %get3A_191 = vector.shape_cast %get3A_190 : vector<1x16xf32> to vector<16xf32>
    %add3A_192 = arith.addf %add3A_156, %get3A_191 : vector<16xf32>
    %get3A_193 = arith.constant 11 : i32
    %get3A_194 = arith.index_cast %get3A_193 : i32 to index
    %get3A_195 = arith.constant 80 : index
    %get3A_196 = tpu.vector_load %arg6[%get3A_194, %get3A_195] {strides = array<i32>} : memref<424x96xf32, #tpu.memory_space<vmem>>, vector<1x16xf32>,
    %get3A_197 = vector.shape_cast %get3A_196 : vector<1x16xf32> to vector<16xf32>
    %add3A_198 = arith.addf %add3A_162, %get3A_197 : vector<16xf32>
    %get3A_199 = arith.constant 12 : i32
    %get3A_200 = arith.index_cast %get3A_199 : i32 to index
    %get3A_201 = arith.constant 0 : index
    %get3A_202 = tpu.vector_load %arg6[%get3A_200, %get3A_201] {strides = array<i32>} : memref<424x96xf32, #tpu.memory_space<vmem>>, vector<1x16xf32>,
    %get3A_203 = vector.shape_cast %get3A_202 : vector<1x16xf32> to vector<16xf32>
    %add3A_204 = arith.addf %add3A_168, %get3A_203 : vector<16xf32>
    %get3A_205 = arith.constant 12 : i32
    %get3A_206 = arith.index_cast %get3A_205 : i32 to index
    %get3A_207 = arith.constant 16 : index
    %get3A_208 = tpu.vector_load %arg6[%get3A_206, %get3A_207] {strides = array<i32>} : memref<424x96xf32, #tpu.memory_space<vmem>>, vector<1x16xf32>,
    %get3A_209 = vector.shape_cast %get3A_208 : vector<1x16xf32> to vector<16xf32>
    %add3A_210 = arith.addf %add3A_174, %get3A_209 : vector<16xf32>
    %get3A_211 = arith.constant 12 : i32
    %get3A_212 = arith.index_cast %get3A_211 : i32 to index
    %get3A_213 = arith.constant 32 : index
    %get3A_214 = tpu.vector_load %arg6[%get3A_212, %get3A_213] {strides = array<i32>} : memref<424x96xf32, #tpu.memory_space<vmem>>, vector<1x16xf32>,
    %get3A_215 = vector.shape_cast %get3A_214 : vector<1x16xf32> to vector<16xf32>
    %add3A_216 = arith.addf %add3A_180, %get3A_215 : vector<16xf32>
    %get3A_217 = arith.constant 12 : i32
    %get3A_218 = arith.index_cast %get3A_217 : i32 to index
    %get3A_219 = arith.constant 48 : index
    %get3A_220 = tpu.vector_load %arg6[%get3A_218, %get3A_219] {strides = array<i32>} : memref<424x96xf32, #tpu.memory_space<vmem>>, vector<1x16xf32>,
    %get3A_221 = vector.shape_cast %get3A_220 : vector<1x16xf32> to vector<16xf32>
    %add3A_222 = arith.addf %add3A_186, %get3A_221 : vector<16xf32>
    %get3A_223 = arith.constant 12 : i32
    %get3A_224 = arith.index_cast %get3A_223 : i32 to index
    %get3A_225 = arith.constant 64 : index
    %get3A_226 = tpu.vector_load %arg6[%get3A_224, %get3A_225] {strides = array<i32>} : memref<424x96xf32, #tpu.memory_space<vmem>>, vector<1x16xf32>,
    %get3A_227 = vector.shape_cast %get3A_226 : vector<1x16xf32> to vector<16xf32>
    %add3A_228 = arith.addf %add3A_192, %get3A_227 : vector<16xf32>
    %get3A_229 = arith.constant 12 : i32
    %get3A_230 = arith.index_cast %get3A_229 : i32 to index
    %get3A_231 = arith.constant 80 : index
    %get3A_232 = tpu.vector_load %arg6[%get3A_230, %get3A_231] {strides = array<i32>} : memref<424x96xf32, #tpu.memory_space<vmem>>, vector<1x16xf32>,
    %get3A_233 = vector.shape_cast %get3A_232 : vector<1x16xf32> to vector<16xf32>
    %add3A_234 = arith.addf %add3A_198, %get3A_233 : vector<16xf32>
    %get3A_235 = arith.constant 13 : i32
    %get3A_236 = arith.index_cast %get3A_235 : i32 to index
    %get3A_237 = arith.constant 0 : index
    %get3A_238 = tpu.vector_load %arg6[%get3A_236, %get3A_237] {strides = array<i32>} : memref<424x96xf32, #tpu.memory_space<vmem>>, vector<1x16xf32>,
    %get3A_239 = vector.shape_cast %get3A_238 : vector<1x16xf32> to vector<16xf32>
    %add3A_240 = arith.addf %add3A_204, %get3A_239 : vector<16xf32>
    %get3A_241 = arith.constant 13 : i32
    %get3A_242 = arith.index_cast %get3A_241 : i32 to index
    %get3A_243 = arith.constant 16 : index
    %get3A_244 = tpu.vector_load %arg6[%get3A_242, %get3A_243] {strides = array<i32>} : memref<424x96xf32, #tpu.memory_space<vmem>>, vector<1x16xf32>,
    %get3A_245 = vector.shape_cast %get3A_244 : vector<1x16xf32> to vector<16xf32>
    %add3A_246 = arith.addf %add3A_210, %get3A_245 : vector<16xf32>
    %get3A_247 = arith.constant 13 : i32
    %get3A_248 = arith.index_cast %get3A_247 : i32 to index
    %get3A_249 = arith.constant 32 : index
    %get3A_250 = tpu.vector_load %arg6[%get3A_248, %get3A_249] {strides = array<i32>} : memref<424x96xf32, #tpu.memory_space<vmem>>, vector<1x16xf32>,
    %get3A_251 = vector.shape_cast %get3A_250 : vector<1x16xf32> to vector<16xf32>
    %add3A_252 = arith.addf %add3A_216, %get3A_251 : vector<16xf32>
    %get3A_253 = arith.constant 13 : i32
    %get3A_254 = arith.index_cast %get3A_253 : i32 to index
    %get3A_255 = arith.constant 48 : index
    %get3A_256 = tpu.vector_load %arg6[%get3A_254, %get3A_255] {strides = array<i32>} : memref<424x96xf32, #tpu.memory_space<vmem>>, vector<1x16xf32>,
    %get3A_257 = vector.shape_cast %get3A_256 : vector<1x16xf32> to vector<16xf32>
    %add3A_258 = arith.addf %add3A_222, %get3A_257 : vector<16xf32>
    %get3A_259 = arith.constant 13 : i32
    %get3A_260 = arith.index_cast %get3A_259 : i32 to index
    %get3A_261 = arith.constant 64 : index
    %get3A_262 = tpu.vector_load %arg6[%get3A_260, %get3A_261] {strides = array<i32>} : memref<424x96xf32, #tpu.memory_space<vmem>>, vector<1x16xf32>,
    %get3A_263 = vector.shape_cast %get3A_262 : vector<1x16xf32> to vector<16xf32>
    %add3A_264 = arith.addf %add3A_228, %get3A_263 : vector<16xf32>
    %get3A_265 = arith.constant 13 : i32
    %get3A_266 = arith.index_cast %get3A_265 : i32 to index
    %get3A_267 = arith.constant 80 : index
    %get3A_268 = tpu.vector_load %arg6[%get3A_266, %get3A_267] {strides = array<i32>} : memref<424x96xf32, #tpu.memory_space<vmem>>, vector<1x16xf32>,
    %get3A_269 = vector.shape_cast %get3A_268 : vector<1x16xf32> to vector<16xf32>
    %add3A_270 = arith.addf %add3A_234, %get3A_269 : vector<16xf32>
    %get3A_271 = arith.constant 14 : i32
    %get3A_272 = arith.index_cast %get3A_271 : i32 to index
    %get3A_273 = arith.constant 0 : index
    %get3A_274 = tpu.vector_load %arg6[%get3A_272, %get3A_273] {strides = array<i32>} : memref<424x96xf32, #tpu.memory_space<vmem>>, vector<1x16xf32>,
    %get3A_275 = vector.shape_cast %get3A_274 : vector<1x16xf32> to vector<16xf32>
    %add3A_276 = arith.addf %add3A_240, %get3A_275 : vector<16xf32>
    %get3A_277 = arith.constant 14 : i32
    %get3A_278 = arith.index_cast %get3A_277 : i32 to index
    %get3A_279 = arith.constant 16 : index
    %get3A_280 = tpu.vector_load %arg6[%get3A_278, %get3A_279] {strides = array<i32>} : memref<424x96xf32, #tpu.memory_space<vmem>>, vector<1x16xf32>,
    %get3A_281 = vector.shape_cast %get3A_280 : vector<1x16xf32> to vector<16xf32>
    %add3A_282 = arith.addf %add3A_246, %get3A_281 : vector<16xf32>
    %get3A_283 = arith.constant 14 : i32
    %get3A_284 = arith.index_cast %get3A_283 : i32 to index
    %get3A_285 = arith.constant 32 : index
    %get3A_286 = tpu.vector_load %arg6[%get3A_284, %get3A_285] {strides = array<i32>} : memref<424x96xf32, #tpu.memory_space<vmem>>, vector<1x16xf32>,
    %get3A_287 = vector.shape_cast %get3A_286 : vector<1x16xf32> to vector<16xf32>
    %add3A_288 = arith.addf %add3A_252, %get3A_287 : vector<16xf32>
    %get3A_289 = arith.constant 14 : i32
    %get3A_290 = arith.index_cast %get3A_289 : i32 to index
    %get3A_291 = arith.constant 48 : index
    %get3A_292 = tpu.vector_load %arg6[%get3A_290, %get3A_291] {strides = array<i32>} : memref<424x96xf32, #tpu.memory_space<vmem>>, vector<1x16xf32>,
    %get3A_293 = vector.shape_cast %get3A_292 : vector<1x16xf32> to vector<16xf32>
    %add3A_294 = arith.addf %add3A_258, %get3A_293 : vector<16xf32>
    %get3A_295 = arith.constant 14 : i32
    %get3A_296 = arith.index_cast %get3A_295 : i32 to index
    %get3A_297 = arith.constant 64 : index
    %get3A_298 = tpu.vector_load %arg6[%get3A_296, %get3A_297] {strides = array<i32>} : memref<424x96xf32, #tpu.memory_space<vmem>>, vector<1x16xf32>,
    %get3A_299 = vector.shape_cast %get3A_298 : vector<1x16xf32> to vector<16xf32>
    %add3A_300 = arith.addf %add3A_264, %get3A_299 : vector<16xf32>
    %get3A_301 = arith.constant 14 : i32
    %get3A_302 = arith.index_cast %get3A_301 : i32 to index
    %get3A_303 = arith.constant 80 : index
    %get3A_304 = tpu.vector_load %arg6[%get3A_302, %get3A_303] {strides = array<i32>} : memref<424x96xf32, #tpu.memory_space<vmem>>, vector<1x16xf32>,
    %get3A_305 = vector.shape_cast %get3A_304 : vector<1x16xf32> to vector<16xf32>
    %add3A_306 = arith.addf %add3A_270, %get3A_305 : vector<16xf32>
    %get3A_307 = arith.constant 15 : i32
    %get3A_308 = arith.index_cast %get3A_307 : i32 to index
    %get3A_309 = arith.constant 0 : index
    %get3A_310 = tpu.vector_load %arg6[%get3A_308, %get3A_309] {strides = array<i32>} : memref<424x96xf32, #tpu.memory_space<vmem>>, vector<1x16xf32>,
    %get3A_311 = vector.shape_cast %get3A_310 : vector<1x16xf32> to vector<16xf32>
    %add3A_312 = arith.addf %add3A_276, %get3A_311 : vector<16xf32>
    %get3A_313 = arith.constant 15 : i32
    %get3A_314 = arith.index_cast %get3A_313 : i32 to index
    %get3A_315 = arith.constant 16 : index
    %get3A_316 = tpu.vector_load %arg6[%get3A_314, %get3A_315] {strides = array<i32>} : memref<424x96xf32, #tpu.memory_space<vmem>>, vector<1x16xf32>,
    %get3A_317 = vector.shape_cast %get3A_316 : vector<1x16xf32> to vector<16xf32>
    %add3A_318 = arith.addf %add3A_282, %get3A_317 : vector<16xf32>
    %get3A_319 = arith.constant 15 : i32
    %get3A_320 = arith.index_cast %get3A_319 : i32 to index
    %get3A_321 = arith.constant 32 : index
    %get3A_322 = tpu.vector_load %arg6[%get3A_320, %get3A_321] {strides = array<i32>} : memref<424x96xf32, #tpu.memory_space<vmem>>, vector<1x16xf32>,
    %get3A_323 = vector.shape_cast %get3A_322 : vector<1x16xf32> to vector<16xf32>
    %add3A_324 = arith.addf %add3A_288, %get3A_323 : vector<16xf32>
    %get3A_325 = arith.constant 15 : i32
    %get3A_326 = arith.index_cast %get3A_325 : i32 to index
    %get3A_327 = arith.constant 48 : index
    %get3A_328 = tpu.vector_load %arg6[%get3A_326, %get3A_327] {strides = array<i32>} : memref<424x96xf32, #tpu.memory_space<vmem>>, vector<1x16xf32>,
    %get3A_329 = vector.shape_cast %get3A_328 : vector<1x16xf32> to vector<16xf32>
    %add3A_330 = arith.addf %add3A_294, %get3A_329 : vector<16xf32>
    %get3A_331 = arith.constant 15 : i32
    %get3A_332 = arith.index_cast %get3A_331 : i32 to index
    %get3A_333 = arith.constant 64 : index
    %get3A_334 = tpu.vector_load %arg6[%get3A_332, %get3A_333] {strides = array<i32>} : memref<424x96xf32, #tpu.memory_space<vmem>>, vector<1x16xf32>,
    %get3A_335 = vector.shape_cast %get3A_334 : vector<1x16xf32> to vector<16xf32>
    %add3A_336 = arith.addf %add3A_300, %get3A_335 : vector<16xf32>
    %get3A_337 = arith.constant 15 : i32
    %get3A_338 = arith.index_cast %get3A_337 : i32 to index
    %get3A_339 = arith.constant 80 : index
    %get3A_340 = tpu.vector_load %arg6[%get3A_338, %get3A_339] {strides = array<i32>} : memref<424x96xf32, #tpu.memory_space<vmem>>, vector<1x16xf32>,
    %get3A_341 = vector.shape_cast %get3A_340 : vector<1x16xf32> to vector<16xf32>
    %add3A_342 = arith.addf %add3A_306, %get3A_341 : vector<16xf32>
    %get3A_343 = arith.constant 16 : i32
    %get3A_344 = arith.index_cast %get3A_343 : i32 to index
    %get3A_345 = arith.constant 0 : index
    %get3A_346 = tpu.vector_load %arg6[%get3A_344, %get3A_345] {strides = array<i32>} : memref<424x96xf32, #tpu.memory_space<vmem>>, vector<1x16xf32>,
    %get3A_347 = vector.shape_cast %get3A_346 : vector<1x16xf32> to vector<16xf32>
    %add3A_348 = arith.addf %add3A_312, %get3A_347 : vector<16xf32>
    %get3A_349 = arith.constant 16 : i32
    %get3A_350 = arith.index_cast %get3A_349 : i32 to index
    %get3A_351 = arith.constant 16 : index
    %get3A_352 = tpu.vector_load %arg6[%get3A_350, %get3A_351] {strides = array<i32>} : memref<424x96xf32, #tpu.memory_space<vmem>>, vector<1x16xf32>,
    %get3A_353 = vector.shape_cast %get3A_352 : vector<1x16xf32> to vector<16xf32>
    %add3A_354 = arith.addf %add3A_318, %get3A_353 : vector<16xf32>
    %get3A_355 = arith.constant 16 : i32
    %get3A_356 = arith.index_cast %get3A_355 : i32 to index
    %get3A_357 = arith.constant 32 : index
    %get3A_358 = tpu.vector_load %arg6[%get3A_356, %get3A_357] {strides = array<i32>} : memref<424x96xf32, #tpu.memory_space<vmem>>, vector<1x16xf32>,
    %get3A_359 = vector.shape_cast %get3A_358 : vector<1x16xf32> to vector<16xf32>
    %add3A_360 = arith.addf %add3A_324, %get3A_359 : vector<16xf32>
    %get3A_361 = arith.constant 16 : i32
    %get3A_362 = arith.index_cast %get3A_361 : i32 to index
    %get3A_363 = arith.constant 48 : index
    %get3A_364 = tpu.vector_load %arg6[%get3A_362, %get3A_363] {strides = array<i32>} : memref<424x96xf32, #tpu.memory_space<vmem>>, vector<1x16xf32>,
    %get3A_365 = vector.shape_cast %get3A_364 : vector<1x16xf32> to vector<16xf32>
    %add3A_366 = arith.addf %add3A_330, %get3A_365 : vector<16xf32>
    %get3A_367 = arith.constant 16 : i32
    %get3A_368 = arith.index_cast %get3A_367 : i32 to index
    %get3A_369 = arith.constant 64 : index
    %get3A_370 = tpu.vector_load %arg6[%get3A_368, %get3A_369] {strides = array<i32>} : memref<424x96xf32, #tpu.memory_space<vmem>>, vector<1x16xf32>,
    %get3A_371 = vector.shape_cast %get3A_370 : vector<1x16xf32> to vector<16xf32>
    %add3A_372 = arith.addf %add3A_336, %get3A_371 : vector<16xf32>
    %get3A_373 = arith.constant 16 : i32
    %get3A_374 = arith.index_cast %get3A_373 : i32 to index
    %get3A_375 = arith.constant 80 : index
    %get3A_376 = tpu.vector_load %arg6[%get3A_374, %get3A_375] {strides = array<i32>} : memref<424x96xf32, #tpu.memory_space<vmem>>, vector<1x16xf32>,
    %get3A_377 = vector.shape_cast %get3A_376 : vector<1x16xf32> to vector<16xf32>
    %add3A_378 = arith.addf %add3A_342, %get3A_377 : vector<16xf32>
    %get3A_379 = arith.constant 17 : i32
    %get3A_380 = arith.index_cast %get3A_379 : i32 to index
    %get3A_381 = arith.constant 0 : index
    %get3A_382 = tpu.vector_load %arg6[%get3A_380, %get3A_381] {strides = array<i32>} : memref<424x96xf32, #tpu.memory_space<vmem>>, vector<1x16xf32>,
    %get3A_383 = vector.shape_cast %get3A_382 : vector<1x16xf32> to vector<16xf32>
    %add3A_384 = arith.addf %add3A_348, %get3A_383 : vector<16xf32>
    %get3A_385 = arith.constant 17 : i32
    %get3A_386 = arith.index_cast %get3A_385 : i32 to index
    %get3A_387 = arith.constant 16 : index
    %get3A_388 = tpu.vector_load %arg6[%get3A_386, %get3A_387] {strides = array<i32>} : memref<424x96xf32, #tpu.memory_space<vmem>>, vector<1x16xf32>,
    %get3A_389 = vector.shape_cast %get3A_388 : vector<1x16xf32> to vector<16xf32>
    %add3A_390 = arith.addf %add3A_354, %get3A_389 : vector<16xf32>
    %get3A_391 = arith.constant 17 : i32
    %get3A_392 = arith.index_cast %get3A_391 : i32 to index
    %get3A_393 = arith.constant 32 : index
    %get3A_394 = tpu.vector_load %arg6[%get3A_392, %get3A_393] {strides = array<i32>} : memref<424x96xf32, #tpu.memory_space<vmem>>, vector<1x16xf32>,
    %get3A_395 = vector.shape_cast %get3A_394 : vector<1x16xf32> to vector<16xf32>
    %add3A_396 = arith.addf %add3A_360, %get3A_395 : vector<16xf32>
    %get3A_397 = arith.constant 17 : i32
    %get3A_398 = arith.index_cast %get3A_397 : i32 to index
    %get3A_399 = arith.constant 48 : index
    %get3A_400 = tpu.vector_load %arg6[%get3A_398, %get3A_399] {strides = array<i32>} : memref<424x96xf32, #tpu.memory_space<vmem>>, vector<1x16xf32>,
    %get3A_401 = vector.shape_cast %get3A_400 : vector<1x16xf32> to vector<16xf32>
    %add3A_402 = arith.addf %add3A_366, %get3A_401 : vector<16xf32>
    %get3A_403 = arith.constant 17 : i32
    %get3A_404 = arith.index_cast %get3A_403 : i32 to index
    %get3A_405 = arith.constant 64 : index
    %get3A_406 = tpu.vector_load %arg6[%get3A_404, %get3A_405] {strides = array<i32>} : memref<424x96xf32, #tpu.memory_space<vmem>>, vector<1x16xf32>,
    %get3A_407 = vector.shape_cast %get3A_406 : vector<1x16xf32> to vector<16xf32>
    %add3A_408 = arith.addf %add3A_372, %get3A_407 : vector<16xf32>
    %get3A_409 = arith.constant 17 : i32
    %get3A_410 = arith.index_cast %get3A_409 : i32 to index
    %get3A_411 = arith.constant 80 : index
    %get3A_412 = tpu.vector_load %arg6[%get3A_410, %get3A_411] {strides = array<i32>} : memref<424x96xf32, #tpu.memory_space<vmem>>, vector<1x16xf32>,
    %get3A_413 = vector.shape_cast %get3A_412 : vector<1x16xf32> to vector<16xf32>
    %add3A_414 = arith.addf %add3A_378, %get3A_413 : vector<16xf32>
    %get3A_415 = arith.constant 18 : i32
    %get3A_416 = arith.index_cast %get3A_415 : i32 to index
    %get3A_417 = arith.constant 0 : index
    %get3A_418 = tpu.vector_load %arg6[%get3A_416, %get3A_417] {strides = array<i32>} : memref<424x96xf32, #tpu.memory_space<vmem>>, vector<1x16xf32>,
    %get3A_419 = vector.shape_cast %get3A_418 : vector<1x16xf32> to vector<16xf32>
    %add3A_420 = arith.addf %add3A_384, %get3A_419 : vector<16xf32>
    %get3A_421 = arith.constant 18 : i32
    %get3A_422 = arith.index_cast %get3A_421 : i32 to index
    %get3A_423 = arith.constant 16 : index
    %get3A_424 = tpu.vector_load %arg6[%get3A_422, %get3A_423] {strides = array<i32>} : memref<424x96xf32, #tpu.memory_space<vmem>>, vector<1x16xf32>,
    %get3A_425 = vector.shape_cast %get3A_424 : vector<1x16xf32> to vector<16xf32>
    %add3A_426 = arith.addf %add3A_390, %get3A_425 : vector<16xf32>
    %get3A_427 = arith.constant 18 : i32
    %get3A_428 = arith.index_cast %get3A_427 : i32 to index
    %get3A_429 = arith.constant 32 : index
    %get3A_430 = tpu.vector_load %arg6[%get3A_428, %get3A_429] {strides = array<i32>} : memref<424x96xf32, #tpu.memory_space<vmem>>, vector<1x16xf32>,
    %get3A_431 = vector.shape_cast %get3A_430 : vector<1x16xf32> to vector<16xf32>
    %add3A_432 = arith.addf %add3A_396, %get3A_431 : vector<16xf32>
    %get3A_433 = arith.constant 18 : i32
    %get3A_434 = arith.index_cast %get3A_433 : i32 to index
    %get3A_435 = arith.constant 48 : index
    %get3A_436 = tpu.vector_load %arg6[%get3A_434, %get3A_435] {strides = array<i32>} : memref<424x96xf32, #tpu.memory_space<vmem>>, vector<1x16xf32>,
    %get3A_437 = vector.shape_cast %get3A_436 : vector<1x16xf32> to vector<16xf32>
    %add3A_438 = arith.addf %add3A_402, %get3A_437 : vector<16xf32>
    %get3A_439 = arith.constant 18 : i32
    %get3A_440 = arith.index_cast %get3A_439 : i32 to index
    %get3A_441 = arith.constant 64 : index
    %get3A_442 = tpu.vector_load %arg6[%get3A_440, %get3A_441] {strides = array<i32>} : memref<424x96xf32, #tpu.memory_space<vmem>>, vector<1x16xf32>,
    %get3A_443 = vector.shape_cast %get3A_442 : vector<1x16xf32> to vector<16xf32>
    %add3A_444 = arith.addf %add3A_408, %get3A_443 : vector<16xf32>
    %get3A_445 = arith.constant 18 : i32
    %get3A_446 = arith.index_cast %get3A_445 : i32 to index
    %get3A_447 = arith.constant 80 : index
    %get3A_448 = tpu.vector_load %arg6[%get3A_446, %get3A_447] {strides = array<i32>} : memref<424x96xf32, #tpu.memory_space<vmem>>, vector<1x16xf32>,
    %get3A_449 = vector.shape_cast %get3A_448 : vector<1x16xf32> to vector<16xf32>
    %add3A_450 = arith.addf %add3A_414, %get3A_449 : vector<16xf32>
    %get3A_451 = arith.constant 19 : i32
    %get3A_452 = arith.index_cast %get3A_451 : i32 to index
    %get3A_453 = arith.constant 0 : index
    %get3A_454 = tpu.vector_load %arg6[%get3A_452, %get3A_453] {strides = array<i32>} : memref<424x96xf32, #tpu.memory_space<vmem>>, vector<1x16xf32>,
    %get3A_455 = vector.shape_cast %get3A_454 : vector<1x16xf32> to vector<16xf32>
    %add3A_456 = arith.addf %add3A_420, %get3A_455 : vector<16xf32>
    %get3A_457 = arith.constant 19 : i32
    %get3A_458 = arith.index_cast %get3A_457 : i32 to index
    %get3A_459 = arith.constant 16 : index
    %get3A_460 = tpu.vector_load %arg6[%get3A_458, %get3A_459] {strides = array<i32>} : memref<424x96xf32, #tpu.memory_space<vmem>>, vector<1x16xf32>,
    %get3A_461 = vector.shape_cast %get3A_460 : vector<1x16xf32> to vector<16xf32>
    %add3A_462 = arith.addf %add3A_426, %get3A_461 : vector<16xf32>
    %get3A_463 = arith.constant 19 : i32
    %get3A_464 = arith.index_cast %get3A_463 : i32 to index
    %get3A_465 = arith.constant 32 : index
    %get3A_466 = tpu.vector_load %arg6[%get3A_464, %get3A_465] {strides = array<i32>} : memref<424x96xf32, #tpu.memory_space<vmem>>, vector<1x16xf32>,
    %get3A_467 = vector.shape_cast %get3A_466 : vector<1x16xf32> to vector<16xf32>
    %add3A_468 = arith.addf %add3A_432, %get3A_467 : vector<16xf32>
    %get3A_469 = arith.constant 19 : i32
    %get3A_470 = arith.index_cast %get3A_469 : i32 to index
    %get3A_471 = arith.constant 48 : index
    %get3A_472 = tpu.vector_load %arg6[%get3A_470, %get3A_471] {strides = array<i32>} : memref<424x96xf32, #tpu.memory_space<vmem>>, vector<1x16xf32>,
    %get3A_473 = vector.shape_cast %get3A_472 : vector<1x16xf32> to vector<16xf32>
    %add3A_474 = arith.addf %add3A_438, %get3A_473 : vector<16xf32>
    %get3A_475 = arith.constant 19 : i32
    %get3A_476 = arith.index_cast %get3A_475 : i32 to index
    %get3A_477 = arith.constant 64 : index
    %get3A_478 = tpu.vector_load %arg6[%get3A_476, %get3A_477] {strides = array<i32>} : memref<424x96xf32, #tpu.memory_space<vmem>>, vector<1x16xf32>,
    %get3A_479 = vector.shape_cast %get3A_478 : vector<1x16xf32> to vector<16xf32>
    %add3A_480 = arith.addf %add3A_444, %get3A_479 : vector<16xf32>
    %get3A_481 = arith.constant 19 : i32
    %get3A_482 = arith.index_cast %get3A_481 : i32 to index
    %get3A_483 = arith.constant 80 : index
    %get3A_484 = tpu.vector_load %arg6[%get3A_482, %get3A_483] {strides = array<i32>} : memref<424x96xf32, #tpu.memory_space<vmem>>, vector<1x16xf32>,
    %get3A_485 = vector.shape_cast %get3A_484 : vector<1x16xf32> to vector<16xf32>
    %add3A_486 = arith.addf %add3A_450, %get3A_485 : vector<16xf32>
    %get3A_487 = arith.constant 20 : i32
    %get3A_488 = arith.index_cast %get3A_487 : i32 to index
    %get3A_489 = arith.constant 0 : index
    %get3A_490 = tpu.vector_load %arg6[%get3A_488, %get3A_489] {strides = array<i32>} : memref<424x96xf32, #tpu.memory_space<vmem>>, vector<1x16xf32>,
    %get3A_491 = vector.shape_cast %get3A_490 : vector<1x16xf32> to vector<16xf32>
    %add3A_492 = arith.addf %add3A_456, %get3A_491 : vector<16xf32>
    %get3A_493 = arith.constant 20 : i32
    %get3A_494 = arith.index_cast %get3A_493 : i32 to index
    %get3A_495 = arith.constant 16 : index
    %get3A_496 = tpu.vector_load %arg6[%get3A_494, %get3A_495] {strides = array<i32>} : memref<424x96xf32, #tpu.memory_space<vmem>>, vector<1x16xf32>,
    %get3A_497 = vector.shape_cast %get3A_496 : vector<1x16xf32> to vector<16xf32>
    %add3A_498 = arith.addf %add3A_462, %get3A_497 : vector<16xf32>
    %get3A_499 = arith.constant 20 : i32
    %get3A_500 = arith.index_cast %get3A_499 : i32 to index
    %get3A_501 = arith.constant 32 : index
    %get3A_502 = tpu.vector_load %arg6[%get3A_500, %get3A_501] {strides = array<i32>} : memref<424x96xf32, #tpu.memory_space<vmem>>, vector<1x16xf32>,
    %get3A_503 = vector.shape_cast %get3A_502 : vector<1x16xf32> to vector<16xf32>
    %add3A_504 = arith.addf %add3A_468, %get3A_503 : vector<16xf32>
    %get3A_505 = arith.constant 20 : i32
    %get3A_506 = arith.index_cast %get3A_505 : i32 to index
    %get3A_507 = arith.constant 48 : index
    %get3A_508 = tpu.vector_load %arg6[%get3A_506, %get3A_507] {strides = array<i32>} : memref<424x96xf32, #tpu.memory_space<vmem>>, vector<1x16xf32>,
    %get3A_509 = vector.shape_cast %get3A_508 : vector<1x16xf32> to vector<16xf32>
    %add3A_510 = arith.addf %add3A_474, %get3A_509 : vector<16xf32>
    %get3A_511 = arith.constant 20 : i32
    %get3A_512 = arith.index_cast %get3A_511 : i32 to index
    %get3A_513 = arith.constant 64 : index
    %get3A_514 = tpu.vector_load %arg6[%get3A_512, %get3A_513] {strides = array<i32>} : memref<424x96xf32, #tpu.memory_space<vmem>>, vector<1x16xf32>,
    %get3A_515 = vector.shape_cast %get3A_514 : vector<1x16xf32> to vector<16xf32>
    %add3A_516 = arith.addf %add3A_480, %get3A_515 : vector<16xf32>
    %get3A_517 = arith.constant 20 : i32
    %get3A_518 = arith.index_cast %get3A_517 : i32 to index
    %get3A_519 = arith.constant 80 : index
    %get3A_520 = tpu.vector_load %arg6[%get3A_518, %get3A_519] {strides = array<i32>} : memref<424x96xf32, #tpu.memory_space<vmem>>, vector<1x16xf32>,
    %get3A_521 = vector.shape_cast %get3A_520 : vector<1x16xf32> to vector<16xf32>
    %add3A_522 = arith.addf %add3A_486, %get3A_521 : vector<16xf32>
    %get3A_523 = arith.constant 21 : i32
    %get3A_524 = arith.index_cast %get3A_523 : i32 to index
    %get3A_525 = arith.constant 0 : index
    %get3A_526 = tpu.vector_load %arg6[%get3A_524, %get3A_525] {strides = array<i32>} : memref<424x96xf32, #tpu.memory_space<vmem>>, vector<1x16xf32>,
    %get3A_527 = vector.shape_cast %get3A_526 : vector<1x16xf32> to vector<16xf32>
    %add3A_528 = arith.addf %add3A_492, %get3A_527 : vector<16xf32>
    %get3A_529 = arith.constant 21 : i32
    %get3A_530 = arith.index_cast %get3A_529 : i32 to index
    %get3A_531 = arith.constant 16 : index
    %get3A_532 = tpu.vector_load %arg6[%get3A_530, %get3A_531] {strides = array<i32>} : memref<424x96xf32, #tpu.memory_space<vmem>>, vector<1x16xf32>,
    %get3A_533 = vector.shape_cast %get3A_532 : vector<1x16xf32> to vector<16xf32>
    %add3A_534 = arith.addf %add3A_498, %get3A_533 : vector<16xf32>
    %get3A_535 = arith.constant 21 : i32
    %get3A_536 = arith.index_cast %get3A_535 : i32 to index
    %get3A_537 = arith.constant 32 : index
    %get3A_538 = tpu.vector_load %arg6[%get3A_536, %get3A_537] {strides = array<i32>} : memref<424x96xf32, #tpu.memory_space<vmem>>, vector<1x16xf32>,
    %get3A_539 = vector.shape_cast %get3A_538 : vector<1x16xf32> to vector<16xf32>
    %add3A_540 = arith.addf %add3A_504, %get3A_539 : vector<16xf32>
    %get3A_541 = arith.constant 21 : i32
    %get3A_542 = arith.index_cast %get3A_541 : i32 to index
    %get3A_543 = arith.constant 48 : index
    %get3A_544 = tpu.vector_load %arg6[%get3A_542, %get3A_543] {strides = array<i32>} : memref<424x96xf32, #tpu.memory_space<vmem>>, vector<1x16xf32>,
    %get3A_545 = vector.shape_cast %get3A_544 : vector<1x16xf32> to vector<16xf32>
    %add3A_546 = arith.addf %add3A_510, %get3A_545 : vector<16xf32>
    %get3A_547 = arith.constant 21 : i32
    %get3A_548 = arith.index_cast %get3A_547 : i32 to index
    %get3A_549 = arith.constant 64 : index
    %get3A_550 = tpu.vector_load %arg6[%get3A_548, %get3A_549] {strides = array<i32>} : memref<424x96xf32, #tpu.memory_space<vmem>>, vector<1x16xf32>,
    %get3A_551 = vector.shape_cast %get3A_550 : vector<1x16xf32> to vector<16xf32>
    %add3A_552 = arith.addf %add3A_516, %get3A_551 : vector<16xf32>
    %get3A_553 = arith.constant 21 : i32
    %get3A_554 = arith.index_cast %get3A_553 : i32 to index
    %get3A_555 = arith.constant 80 : index
    %get3A_556 = tpu.vector_load %arg6[%get3A_554, %get3A_555] {strides = array<i32>} : memref<424x96xf32, #tpu.memory_space<vmem>>, vector<1x16xf32>,
    %get3A_557 = vector.shape_cast %get3A_556 : vector<1x16xf32> to vector<16xf32>
    %add3A_558 = arith.addf %add3A_522, %get3A_557 : vector<16xf32>
    %get3A_559 = arith.constant 22 : i32
    %get3A_560 = arith.index_cast %get3A_559 : i32 to index
    %get3A_561 = arith.constant 0 : index
    %get3A_562 = tpu.vector_load %arg6[%get3A_560, %get3A_561] {strides = array<i32>} : memref<424x96xf32, #tpu.memory_space<vmem>>, vector<1x16xf32>,
    %get3A_563 = vector.shape_cast %get3A_562 : vector<1x16xf32> to vector<16xf32>
    %add3A_564 = arith.addf %add3A_528, %get3A_563 : vector<16xf32>
    %get3A_565 = arith.constant 22 : i32
    %get3A_566 = arith.index_cast %get3A_565 : i32 to index
    %get3A_567 = arith.constant 16 : index
    %get3A_568 = tpu.vector_load %arg6[%get3A_566, %get3A_567] {strides = array<i32>} : memref<424x96xf32, #tpu.memory_space<vmem>>, vector<1x16xf32>,
    %get3A_569 = vector.shape_cast %get3A_568 : vector<1x16xf32> to vector<16xf32>
    %add3A_570 = arith.addf %add3A_534, %get3A_569 : vector<16xf32>
    %get3A_571 = arith.constant 22 : i32
    %get3A_572 = arith.index_cast %get3A_571 : i32 to index
    %get3A_573 = arith.constant 32 : index
    %get3A_574 = tpu.vector_load %arg6[%get3A_572, %get3A_573] {strides = array<i32>} : memref<424x96xf32, #tpu.memory_space<vmem>>, vector<1x16xf32>,
    %get3A_575 = vector.shape_cast %get3A_574 : vector<1x16xf32> to vector<16xf32>
    %add3A_576 = arith.addf %add3A_540, %get3A_575 : vector<16xf32>
    %get3A_577 = arith.constant 22 : i32
    %get3A_578 = arith.index_cast %get3A_577 : i32 to index
    %get3A_579 = arith.constant 48 : index
    %get3A_580 = tpu.vector_load %arg6[%get3A_578, %get3A_579] {strides = array<i32>} : memref<424x96xf32, #tpu.memory_space<vmem>>, vector<1x16xf32>,
    %get3A_581 = vector.shape_cast %get3A_580 : vector<1x16xf32> to vector<16xf32>
    %add3A_582 = arith.addf %add3A_546, %get3A_581 : vector<16xf32>
    %get3A_583 = arith.constant 22 : i32
    %get3A_584 = arith.index_cast %get3A_583 : i32 to index
    %get3A_585 = arith.constant 64 : index
    %get3A_586 = tpu.vector_load %arg6[%get3A_584, %get3A_585] {strides = array<i32>} : memref<424x96xf32, #tpu.memory_space<vmem>>, vector<1x16xf32>,
    %get3A_587 = vector.shape_cast %get3A_586 : vector<1x16xf32> to vector<16xf32>
    %add3A_588 = arith.addf %add3A_552, %get3A_587 : vector<16xf32>
    %get3A_589 = arith.constant 22 : i32
    %get3A_590 = arith.index_cast %get3A_589 : i32 to index
    %get3A_591 = arith.constant 80 : index
    %get3A_592 = tpu.vector_load %arg6[%get3A_590, %get3A_591] {strides = array<i32>} : memref<424x96xf32, #tpu.memory_space<vmem>>, vector<1x16xf32>,
    %get3A_593 = vector.shape_cast %get3A_592 : vector<1x16xf32> to vector<16xf32>
    %add3A_594 = arith.addf %add3A_558, %get3A_593 : vector<16xf32>
    %get3A_595 = arith.constant 23 : i32
    %get3A_596 = arith.index_cast %get3A_595 : i32 to index
    %get3A_597 = arith.constant 0 : index
    %get3A_598 = tpu.vector_load %arg6[%get3A_596, %get3A_597] {strides = array<i32>} : memref<424x96xf32, #tpu.memory_space<vmem>>, vector<1x16xf32>,
    %get3A_599 = vector.shape_cast %get3A_598 : vector<1x16xf32> to vector<16xf32>
    %add3A_600 = arith.addf %add3A_564, %get3A_599 : vector<16xf32>
    %get3A_601 = arith.constant 23 : i32
    %get3A_602 = arith.index_cast %get3A_601 : i32 to index
    %get3A_603 = arith.constant 16 : index
    %get3A_604 = tpu.vector_load %arg6[%get3A_602, %get3A_603] {strides = array<i32>} : memref<424x96xf32, #tpu.memory_space<vmem>>, vector<1x16xf32>,
    %get3A_605 = vector.shape_cast %get3A_604 : vector<1x16xf32> to vector<16xf32>
    %add3A_606 = arith.addf %add3A_570, %get3A_605 : vector<16xf32>
    %get3A_607 = arith.constant 23 : i32
    %get3A_608 = arith.index_cast %get3A_607 : i32 to index
    %get3A_609 = arith.constant 32 : index
    %get3A_610 = tpu.vector_load %arg6[%get3A_608, %get3A_609] {strides = array<i32>} : memref<424x96xf32, #tpu.memory_space<vmem>>, vector<1x16xf32>,
    %get3A_611 = vector.shape_cast %get3A_610 : vector<1x16xf32> to vector<16xf32>
    %add3A_612 = arith.addf %add3A_576, %get3A_611 : vector<16xf32>
    %get3A_613 = arith.constant 23 : i32
    %get3A_614 = arith.index_cast %get3A_613 : i32 to index
    %get3A_615 = arith.constant 48 : index
    %get3A_616 = tpu.vector_load %arg6[%get3A_614, %get3A_615] {strides = array<i32>} : memref<424x96xf32, #tpu.memory_space<vmem>>, vector<1x16xf32>,
    %get3A_617 = vector.shape_cast %get3A_616 : vector<1x16xf32> to vector<16xf32>
    %add3A_618 = arith.addf %add3A_582, %get3A_617 : vector<16xf32>
    %get3A_619 = arith.constant 23 : i32
    %get3A_620 = arith.index_cast %get3A_619 : i32 to index
    %get3A_621 = arith.constant 64 : index
    %get3A_622 = tpu.vector_load %arg6[%get3A_620, %get3A_621] {strides = array<i32>} : memref<424x96xf32, #tpu.memory_space<vmem>>, vector<1x16xf32>,
    %get3A_623 = vector.shape_cast %get3A_622 : vector<1x16xf32> to vector<16xf32>
    %add3A_624 = arith.addf %add3A_588, %get3A_623 : vector<16xf32>
    %get3A_625 = arith.constant 23 : i32
    %get3A_626 = arith.index_cast %get3A_625 : i32 to index
    %get3A_627 = arith.constant 80 : index
    %get3A_628 = tpu.vector_load %arg6[%get3A_626, %get3A_627] {strides = array<i32>} : memref<424x96xf32, #tpu.memory_space<vmem>>, vector<1x16xf32>,
    %get3A_629 = vector.shape_cast %get3A_628 : vector<1x16xf32> to vector<16xf32>
    %add3A_630 = arith.addf %add3A_594, %get3A_629 : vector<16xf32>
    %get3A_631 = arith.constant 24 : i32
    %get3A_632 = arith.index_cast %get3A_631 : i32 to index
    %get3A_633 = arith.constant 0 : index
    %get3A_634 = tpu.vector_load %arg6[%get3A_632, %get3A_633] {strides = array<i32>} : memref<424x96xf32, #tpu.memory_space<vmem>>, vector<1x16xf32>,
    %get3A_635 = vector.shape_cast %get3A_634 : vector<1x16xf32> to vector<16xf32>
    %add3A_636 = arith.addf %add3A_600, %get3A_635 : vector<16xf32>
    %get3A_637 = arith.constant 24 : i32
    %get3A_638 = arith.index_cast %get3A_637 : i32 to index
    %get3A_639 = arith.constant 16 : index
    %get3A_640 = tpu.vector_load %arg6[%get3A_638, %get3A_639] {strides = array<i32>} : memref<424x96xf32, #tpu.memory_space<vmem>>, vector<1x16xf32>,
    %get3A_641 = vector.shape_cast %get3A_640 : vector<1x16xf32> to vector<16xf32>
    %add3A_642 = arith.addf %add3A_606, %get3A_641 : vector<16xf32>
    %get3A_643 = arith.constant 24 : i32
    %get3A_644 = arith.index_cast %get3A_643 : i32 to index
    %get3A_645 = arith.constant 32 : index
    %get3A_646 = tpu.vector_load %arg6[%get3A_644, %get3A_645] {strides = array<i32>} : memref<424x96xf32, #tpu.memory_space<vmem>>, vector<1x16xf32>,
    %get3A_647 = vector.shape_cast %get3A_646 : vector<1x16xf32> to vector<16xf32>
    %add3A_648 = arith.addf %add3A_612, %get3A_647 : vector<16xf32>
    %get3A_649 = arith.constant 24 : i32
    %get3A_650 = arith.index_cast %get3A_649 : i32 to index
    %get3A_651 = arith.constant 48 : index
    %get3A_652 = tpu.vector_load %arg6[%get3A_650, %get3A_651] {strides = array<i32>} : memref<424x96xf32, #tpu.memory_space<vmem>>, vector<1x16xf32>,
    %get3A_653 = vector.shape_cast %get3A_652 : vector<1x16xf32> to vector<16xf32>
    %add3A_654 = arith.addf %add3A_618, %get3A_653 : vector<16xf32>
    %get3A_655 = arith.constant 24 : i32
    %get3A_656 = arith.index_cast %get3A_655 : i32 to index
    %get3A_657 = arith.constant 64 : index
    %get3A_658 = tpu.vector_load %arg6[%get3A_656, %get3A_657] {strides = array<i32>} : memref<424x96xf32, #tpu.memory_space<vmem>>, vector<1x16xf32>,
    %get3A_659 = vector.shape_cast %get3A_658 : vector<1x16xf32> to vector<16xf32>
    %add3A_660 = arith.addf %add3A_624, %get3A_659 : vector<16xf32>
    %get3A_661 = arith.constant 24 : i32
    %get3A_662 = arith.index_cast %get3A_661 : i32 to index
    %get3A_663 = arith.constant 80 : index
    %get3A_664 = tpu.vector_load %arg6[%get3A_662, %get3A_663] {strides = array<i32>} : memref<424x96xf32, #tpu.memory_space<vmem>>, vector<1x16xf32>,
    %get3A_665 = vector.shape_cast %get3A_664 : vector<1x16xf32> to vector<16xf32>
    %add3A_666 = arith.addf %add3A_630, %get3A_665 : vector<16xf32>
    %get3A_667 = arith.constant 25 : i32
    %get3A_668 = arith.index_cast %get3A_667 : i32 to index
    %get3A_669 = arith.constant 0 : index
    %get3A_670 = tpu.vector_load %arg6[%get3A_668, %get3A_669] {strides = array<i32>} : memref<424x96xf32, #tpu.memory_space<vmem>>, vector<1x16xf32>,
    %get3A_671 = vector.shape_cast %get3A_670 : vector<1x16xf32> to vector<16xf32>
    %add3A_672 = arith.addf %add3A_636, %get3A_671 : vector<16xf32>
    %get3A_673 = arith.constant 25 : i32
    %get3A_674 = arith.index_cast %get3A_673 : i32 to index
    %get3A_675 = arith.constant 16 : index
    %get3A_676 = tpu.vector_load %arg6[%get3A_674, %get3A_675] {strides = array<i32>} : memref<424x96xf32, #tpu.memory_space<vmem>>, vector<1x16xf32>,
    %get3A_677 = vector.shape_cast %get3A_676 : vector<1x16xf32> to vector<16xf32>
    %add3A_678 = arith.addf %add3A_642, %get3A_677 : vector<16xf32>
    %get3A_679 = arith.constant 25 : i32
    %get3A_680 = arith.index_cast %get3A_679 : i32 to index
    %get3A_681 = arith.constant 32 : index
    %get3A_682 = tpu.vector_load %arg6[%get3A_680, %get3A_681] {strides = array<i32>} : memref<424x96xf32, #tpu.memory_space<vmem>>, vector<1x16xf32>,
    %get3A_683 = vector.shape_cast %get3A_682 : vector<1x16xf32> to vector<16xf32>
    %add3A_684 = arith.addf %add3A_648, %get3A_683 : vector<16xf32>
    %get3A_685 = arith.constant 25 : i32
    %get3A_686 = arith.index_cast %get3A_685 : i32 to index
    %get3A_687 = arith.constant 48 : index
    %get3A_688 = tpu.vector_load %arg6[%get3A_686, %get3A_687] {strides = array<i32>} : memref<424x96xf32, #tpu.memory_space<vmem>>, vector<1x16xf32>,
    %get3A_689 = vector.shape_cast %get3A_688 : vector<1x16xf32> to vector<16xf32>
    %add3A_690 = arith.addf %add3A_654, %get3A_689 : vector<16xf32>
    %get3A_691 = arith.constant 25 : i32
    %get3A_692 = arith.index_cast %get3A_691 : i32 to index
    %get3A_693 = arith.constant 64 : index
    %get3A_694 = tpu.vector_load %arg6[%get3A_692, %get3A_693] {strides = array<i32>} : memref<424x96xf32, #tpu.memory_space<vmem>>, vector<1x16xf32>,
    %get3A_695 = vector.shape_cast %get3A_694 : vector<1x16xf32> to vector<16xf32>
    %add3A_696 = arith.addf %add3A_660, %get3A_695 : vector<16xf32>
    %get3A_697 = arith.constant 25 : i32
    %get3A_698 = arith.index_cast %get3A_697 : i32 to index
    %get3A_699 = arith.constant 80 : index
    %get3A_700 = tpu.vector_load %arg6[%get3A_698, %get3A_699] {strides = array<i32>} : memref<424x96xf32, #tpu.memory_space<vmem>>, vector<1x16xf32>,
    %get3A_701 = vector.shape_cast %get3A_700 : vector<1x16xf32> to vector<16xf32>
    %add3A_702 = arith.addf %add3A_666, %get3A_701 : vector<16xf32>
    %scan3A = arith.constant 0 : i32
    %scan3A_703 = arith.constant 392 : i32
    %scan3A_704 = arith.addi %scan3A, %scan3A_703 : i32
    %scan3A_705 = arith.constant 1 : i32
    %scan3A_706:6 = scf.for %scan3A_1399 = %scan3A to %scan3A_704 step %scan3A_705 iter_args(%scan3A_1400 = %add3A_672, %scan3A_1401 = %add3A_678, %scan3A_1402 = %add3A_684, %scan3A_1403 = %add3A_690, %scan3A_1404 = %add3A_696, %scan3A_1405 = %add3A_702) -> (vector<16xf32>, vector<16xf32>, vector<16xf32>, vector<16xf32>, vector<16xf32>, vector<16xf32>)  : i32 {
      %mul3A_1406 = arith.constant 16 : i32
      %mul3A_1407 = arith.muli %scan3A_1399, %mul3A_1406 : i32
      %get3A_1408 = arith.index_cast %mul3A_1407 : i32 to index
      %get3A_1409 = tpu.vector_load %arg7[%get3A_1408] {strides = array<i32>} : memref<6272xf32, #tpu.memory_space<vmem>>, vector<16xf32>,
      %get3A_1410 = vector.shape_cast %get3A_1409 : vector<16xf32> to vector<16xf32>
      %mul3A_1411 = arith.mulf %scan3A_1400, %get3A_1410 : vector<16xf32>
      %add3A_1412 = arith.addf %mul3A_1411, %get3A_6 : vector<16xf32>
      %swap3A = arith.index_cast %scan3A_1399 : i32 to index
      %swap3A_1413 = arith.constant 0 : index
      %swap3A_1414 = tpu.vector_load %arg9[%swap3A, %swap3A_1413] {strides = array<i32>} : memref<392x96xf32, #tpu.memory_space<vmem>>, vector<1x16xf32>,
      %swap3A_1415 = vector.shape_cast %swap3A_1414 : vector<1x16xf32> to vector<16xf32>
      %swap3A_1416 = vector.shape_cast %add3A_1412 : vector<16xf32> to vector<1x16xf32>
      tpu.vector_store %arg9[%swap3A, %swap3A_1413], %swap3A_1416 {strides = array<i32>} : memref<392x96xf32, #tpu.memory_space<vmem>>, vector<1x16xf32>,
      %mul3A_1417 = arith.mulf %scan3A_1401, %get3A_1410 : vector<16xf32>
      %add3A_1418 = arith.addf %mul3A_1417, %get3A_9 : vector<16xf32>
      %swap3A_1419 = arith.index_cast %scan3A_1399 : i32 to index
      %swap3A_1420 = arith.constant 16 : index
      %swap3A_1421 = tpu.vector_load %arg9[%swap3A_1419, %swap3A_1420] {strides = array<i32>} : memref<392x96xf32, #tpu.memory_space<vmem>>, vector<1x16xf32>,
      %swap3A_1422 = vector.shape_cast %swap3A_1421 : vector<1x16xf32> to vector<16xf32>
      %swap3A_1423 = vector.shape_cast %add3A_1418 : vector<16xf32> to vector<1x16xf32>
      tpu.vector_store %arg9[%swap3A_1419, %swap3A_1420], %swap3A_1423 {strides = array<i32>} : memref<392x96xf32, #tpu.memory_space<vmem>>, vector<1x16xf32>,
      %mul3A_1424 = arith.mulf %scan3A_1402, %get3A_1410 : vector<16xf32>
      %add3A_1425 = arith.addf %mul3A_1424, %get3A_12 : vector<16xf32>
      %swap3A_1426 = arith.index_cast %scan3A_1399 : i32 to index
      %swap3A_1427 = arith.constant 32 : index
      %swap3A_1428 = tpu.vector_load %arg9[%swap3A_1426, %swap3A_1427] {strides = array<i32>} : memref<392x96xf32, #tpu.memory_space<vmem>>, vector<1x16xf32>,
      %swap3A_1429 = vector.shape_cast %swap3A_1428 : vector<1x16xf32> to vector<16xf32>
      %swap3A_1430 = vector.shape_cast %add3A_1425 : vector<16xf32> to vector<1x16xf32>
      tpu.vector_store %arg9[%swap3A_1426, %swap3A_1427], %swap3A_1430 {strides = array<i32>} : memref<392x96xf32, #tpu.memory_space<vmem>>, vector<1x16xf32>,
      %mul3A_1431 = arith.mulf %scan3A_1403, %get3A_1410 : vector<16xf32>
      %add3A_1432 = arith.addf %mul3A_1431, %get3A_15 : vector<16xf32>
      %swap3A_1433 = arith.index_cast %scan3A_1399 : i32 to index
      %swap3A_1434 = arith.constant 48 : index
      %swap3A_1435 = tpu.vector_load %arg9[%swap3A_1433, %swap3A_1434] {strides = array<i32>} : memref<392x96xf32, #tpu.memory_space<vmem>>, vector<1x16xf32>,
      %swap3A_1436 = vector.shape_cast %swap3A_1435 : vector<1x16xf32> to vector<16xf32>
      %swap3A_1437 = vector.shape_cast %add3A_1432 : vector<16xf32> to vector<1x16xf32>
      tpu.vector_store %arg9[%swap3A_1433, %swap3A_1434], %swap3A_1437 {strides = array<i32>} : memref<392x96xf32, #tpu.memory_space<vmem>>, vector<1x16xf32>,
      %mul3A_1438 = arith.mulf %scan3A_1404, %get3A_1410 : vector<16xf32>
      %add3A_1439 = arith.addf %mul3A_1438, %get3A_18 : vector<16xf32>
      %swap3A_1440 = arith.index_cast %scan3A_1399 : i32 to index
      %swap3A_1441 = arith.constant 64 : index
      %swap3A_1442 = tpu.vector_load %arg9[%swap3A_1440, %swap3A_1441] {strides = array<i32>} : memref<392x96xf32, #tpu.memory_space<vmem>>, vector<1x16xf32>,
      %swap3A_1443 = vector.shape_cast %swap3A_1442 : vector<1x16xf32> to vector<16xf32>
      %swap3A_1444 = vector.shape_cast %add3A_1439 : vector<16xf32> to vector<1x16xf32>
      tpu.vector_store %arg9[%swap3A_1440, %swap3A_1441], %swap3A_1444 {strides = array<i32>} : memref<392x96xf32, #tpu.memory_space<vmem>>, vector<1x16xf32>,
      %mul3A_1445 = arith.mulf %scan3A_1405, %get3A_1410 : vector<16xf32>
      %add3A_1446 = arith.addf %mul3A_1445, %get3A_21 : vector<16xf32>
      %swap3A_1447 = arith.index_cast %scan3A_1399 : i32 to index
      %swap3A_1448 = arith.constant 80 : index
      %swap3A_1449 = tpu.vector_load %arg9[%swap3A_1447, %swap3A_1448] {strides = array<i32>} : memref<392x96xf32, #tpu.memory_space<vmem>>, vector<1x16xf32>,
      %swap3A_1450 = vector.shape_cast %swap3A_1449 : vector<1x16xf32> to vector<16xf32>
      %swap3A_1451 = vector.shape_cast %add3A_1446 : vector<16xf32> to vector<1x16xf32>
      tpu.vector_store %arg9[%swap3A_1447, %swap3A_1448], %swap3A_1451 {strides = array<i32>} : memref<392x96xf32, #tpu.memory_space<vmem>>, vector<1x16xf32>,
      %add3A_1452 = arith.constant 7 : i32
      %add3A_1453 = arith.addi %scan3A_1399, %add3A_1452 : i32
      %add3A_1454 = arith.constant 19 : i32
      %add3A_1455 = arith.addi %add3A_1453, %add3A_1454 : i32
      %get3A_1456 = arith.index_cast %add3A_1455 : i32 to index
      %get3A_1457 = arith.constant 0 : index
      %get3A_1458 = tpu.vector_load %arg6[%get3A_1456, %get3A_1457] {strides = array<i32>} : memref<424x96xf32, #tpu.memory_space<vmem>>, vector<1x16xf32>,
      %get3A_1459 = vector.shape_cast %get3A_1458 : vector<1x16xf32> to vector<16xf32>
      %add3A_1460 = arith.addf %scan3A_1400, %get3A_1459 : vector<16xf32>
      %add3A_1461 = arith.constant 7 : i32
      %add3A_1462 = arith.addi %scan3A_1399, %add3A_1461 : i32
      %get3A_1463 = arith.index_cast %add3A_1462 : i32 to index
      %get3A_1464 = arith.constant 0 : index
      %get3A_1465 = tpu.vector_load %arg6[%get3A_1463, %get3A_1464] {strides = array<i32>} : memref<424x96xf32, #tpu.memory_space<vmem>>, vector<1x16xf32>,
      %get3A_1466 = vector.shape_cast %get3A_1465 : vector<1x16xf32> to vector<16xf32>
      %sub3A_1467 = arith.subf %add3A_1460, %get3A_1466 : vector<16xf32>
      %add3A_1468 = arith.constant 7 : i32
      %add3A_1469 = arith.addi %scan3A_1399, %add3A_1468 : i32
      %add3A_1470 = arith.constant 19 : i32
      %add3A_1471 = arith.addi %add3A_1469, %add3A_1470 : i32
      %get3A_1472 = arith.index_cast %add3A_1471 : i32 to index
      %get3A_1473 = arith.constant 16 : index
      %get3A_1474 = tpu.vector_load %arg6[%get3A_1472, %get3A_1473] {strides = array<i32>} : memref<424x96xf32, #tpu.memory_space<vmem>>, vector<1x16xf32>,
      %get3A_1475 = vector.shape_cast %get3A_1474 : vector<1x16xf32> to vector<16xf32>
      %add3A_1476 = arith.addf %scan3A_1401, %get3A_1475 : vector<16xf32>
      %add3A_1477 = arith.constant 7 : i32
      %add3A_1478 = arith.addi %scan3A_1399, %add3A_1477 : i32
      %get3A_1479 = arith.index_cast %add3A_1478 : i32 to index
      %get3A_1480 = arith.constant 16 : index
      %get3A_1481 = tpu.vector_load %arg6[%get3A_1479, %get3A_1480] {strides = array<i32>} : memref<424x96xf32, #tpu.memory_space<vmem>>, vector<1x16xf32>,
      %get3A_1482 = vector.shape_cast %get3A_1481 : vector<1x16xf32> to vector<16xf32>
      %sub3A_1483 = arith.subf %add3A_1476, %get3A_1482 : vector<16xf32>
      %add3A_1484 = arith.constant 7 : i32
      %add3A_1485 = arith.addi %scan3A_1399, %add3A_1484 : i32
      %add3A_1486 = arith.constant 19 : i32
      %add3A_1487 = arith.addi %add3A_1485, %add3A_1486 : i32
      %get3A_1488 = arith.index_cast %add3A_1487 : i32 to index
      %get3A_1489 = arith.constant 32 : index
      %get3A_1490 = tpu.vector_load %arg6[%get3A_1488, %get3A_1489] {strides = array<i32>} : memref<424x96xf32, #tpu.memory_space<vmem>>, vector<1x16xf32>,
      %get3A_1491 = vector.shape_cast %get3A_1490 : vector<1x16xf32> to vector<16xf32>
      %add3A_1492 = arith.addf %scan3A_1402, %get3A_1491 : vector<16xf32>
      %add3A_1493 = arith.constant 7 : i32
      %add3A_1494 = arith.addi %scan3A_1399, %add3A_1493 : i32
      %get3A_1495 = arith.index_cast %add3A_1494 : i32 to index
      %get3A_1496 = arith.constant 32 : index
      %get3A_1497 = tpu.vector_load %arg6[%get3A_1495, %get3A_1496] {strides = array<i32>} : memref<424x96xf32, #tpu.memory_space<vmem>>, vector<1x16xf32>,
      %get3A_1498 = vector.shape_cast %get3A_1497 : vector<1x16xf32> to vector<16xf32>
      %sub3A_1499 = arith.subf %add3A_1492, %get3A_1498 : vector<16xf32>
      %add3A_1500 = arith.constant 7 : i32
      %add3A_1501 = arith.addi %scan3A_1399, %add3A_1500 : i32
      %add3A_1502 = arith.constant 19 : i32
      %add3A_1503 = arith.addi %add3A_1501, %add3A_1502 : i32
      %get3A_1504 = arith.index_cast %add3A_1503 : i32 to index
      %get3A_1505 = arith.constant 48 : index
      %get3A_1506 = tpu.vector_load %arg6[%get3A_1504, %get3A_1505] {strides = array<i32>} : memref<424x96xf32, #tpu.memory_space<vmem>>, vector<1x16xf32>,
      %get3A_1507 = vector.shape_cast %get3A_1506 : vector<1x16xf32> to vector<16xf32>
      %add3A_1508 = arith.addf %scan3A_1403, %get3A_1507 : vector<16xf32>
      %add3A_1509 = arith.constant 7 : i32
      %add3A_1510 = arith.addi %scan3A_1399, %add3A_1509 : i32
      %get3A_1511 = arith.index_cast %add3A_1510 : i32 to index
      %get3A_1512 = arith.constant 48 : index
      %get3A_1513 = tpu.vector_load %arg6[%get3A_1511, %get3A_1512] {strides = array<i32>} : memref<424x96xf32, #tpu.memory_space<vmem>>, vector<1x16xf32>,
      %get3A_1514 = vector.shape_cast %get3A_1513 : vector<1x16xf32> to vector<16xf32>
      %sub3A_1515 = arith.subf %add3A_1508, %get3A_1514 : vector<16xf32>
      %add3A_1516 = arith.constant 7 : i32
      %add3A_1517 = arith.addi %scan3A_1399, %add3A_1516 : i32
      %add3A_1518 = arith.constant 19 : i32
      %add3A_1519 = arith.addi %add3A_1517, %add3A_1518 : i32
      %get3A_1520 = arith.index_cast %add3A_1519 : i32 to index
      %get3A_1521 = arith.constant 64 : index
      %get3A_1522 = tpu.vector_load %arg6[%get3A_1520, %get3A_1521] {strides = array<i32>} : memref<424x96xf32, #tpu.memory_space<vmem>>, vector<1x16xf32>,
      %get3A_1523 = vector.shape_cast %get3A_1522 : vector<1x16xf32> to vector<16xf32>
      %add3A_1524 = arith.addf %scan3A_1404, %get3A_1523 : vector<16xf32>
      %add3A_1525 = arith.constant 7 : i32
      %add3A_1526 = arith.addi %scan3A_1399, %add3A_1525 : i32
      %get3A_1527 = arith.index_cast %add3A_1526 : i32 to index
      %get3A_1528 = arith.constant 64 : index
      %get3A_1529 = tpu.vector_load %arg6[%get3A_1527, %get3A_1528] {strides = array<i32>} : memref<424x96xf32, #tpu.memory_space<vmem>>, vector<1x16xf32>,
      %get3A_1530 = vector.shape_cast %get3A_1529 : vector<1x16xf32> to vector<16xf32>
      %sub3A_1531 = arith.subf %add3A_1524, %get3A_1530 : vector<16xf32>
      %add3A_1532 = arith.constant 7 : i32
      %add3A_1533 = arith.addi %scan3A_1399, %add3A_1532 : i32
      %add3A_1534 = arith.constant 19 : i32
      %add3A_1535 = arith.addi %add3A_1533, %add3A_1534 : i32
      %get3A_1536 = arith.index_cast %add3A_1535 : i32 to index
      %get3A_1537 = arith.constant 80 : index
      %get3A_1538 = tpu.vector_load %arg6[%get3A_1536, %get3A_1537] {strides = array<i32>} : memref<424x96xf32, #tpu.memory_space<vmem>>, vector<1x16xf32>,
      %get3A_1539 = vector.shape_cast %get3A_1538 : vector<1x16xf32> to vector<16xf32>
      %add3A_1540 = arith.addf %scan3A_1405, %get3A_1539 : vector<16xf32>
      %add3A_1541 = arith.constant 7 : i32
      %add3A_1542 = arith.addi %scan3A_1399, %add3A_1541 : i32
      %get3A_1543 = arith.index_cast %add3A_1542 : i32 to index
      %get3A_1544 = arith.constant 80 : index
      %get3A_1545 = tpu.vector_load %arg6[%get3A_1543, %get3A_1544] {strides = array<i32>} : memref<424x96xf32, #tpu.memory_space<vmem>>, vector<1x16xf32>,
      %get3A_1546 = vector.shape_cast %get3A_1545 : vector<1x16xf32> to vector<16xf32>
      %sub3A_1547 = arith.subf %add3A_1540, %get3A_1546 : vector<16xf32>
      scf.yield %sub3A_1467, %sub3A_1483, %sub3A_1499, %sub3A_1515, %sub3A_1531, %sub3A_1547 : vector<16xf32>, vector<16xf32>, vector<16xf32>, vector<16xf32>, vector<16xf32>, vector<16xf32>
    }
    %scan3A_707 = arith.constant 392 : i32
    %run_scoped3A_708 = arith.constant 0 : i32
    "tpu.region"() ({
      %run_scoped3A_1399 = tpu.sem_alloc : memref<!tpu.dma_semaphore, #tpu.memory_space<semaphore_mem>>
      %dma_start3A = arith.constant 0 : i32
      %dma_start3A_1400 = tpu.memref_slice %arg5[%run_scoped3A_708, %mul3A_2, %dma_start3A] : memref<2x12544x96xf32, #tpu.memory_space<hbm>> -> memref<1x392x96xf32, #tpu.memory_space<hbm>>
      %dma_start3A_1401 = tpu.memref_squeeze %dma_start3A_1400 : memref<1x392x96xf32, #tpu.memory_space<hbm>> -> memref<392x96xf32, #tpu.memory_space<hbm>>
      %dma_start3A_1402 = arith.constant 0 : i32
      %dma_start3A_1403 = tpu.memref_slice %arg5[%run_scoped3A_708, %mul3A_2, %dma_start3A_1402] : memref<2x12544x96xf32, #tpu.memory_space<hbm>> -> memref<1x392x96xf32, #tpu.memory_space<hbm>>
      %dma_start3A_1404 = tpu.memref_squeeze %dma_start3A_1403 : memref<1x392x96xf32, #tpu.memory_space<hbm>> -> memref<392x96xf32, #tpu.memory_space<hbm>>
      tpu.enqueue_dma source(%arg9 : memref<392x96xf32, #tpu.memory_space<vmem>>) target(%dma_start3A_1404 : memref<392x96xf32, #tpu.memory_space<hbm>>) target_semaphore(%run_scoped3A_1399 : memref<!tpu.dma_semaphore, #tpu.memory_space<semaphore_mem>>)
      %dma_wait3A = arith.constant 0 : i32
      %dma_wait3A_1405 = tpu.memref_slice %arg5[%run_scoped3A_708, %mul3A_2, %dma_wait3A] : memref<2x12544x96xf32, #tpu.memory_space<hbm>> -> memref<1x392x96xf32, #tpu.memory_space<hbm>>
      %dma_wait3A_1406 = tpu.memref_squeeze %dma_wait3A_1405 : memref<1x392x96xf32, #tpu.memory_space<hbm>> -> memref<392x96xf32, #tpu.memory_space<hbm>>
      %dma_wait3A_1407 = arith.constant 0 : i32
      %dma_wait3A_1408 = tpu.memref_slice %arg5[%run_scoped3A_708, %mul3A_2, %dma_wait3A_1407] : memref<2x12544x96xf32, #tpu.memory_space<hbm>> -> memref<1x392x96xf32, #tpu.memory_space<hbm>>
      %dma_wait3A_1409 = tpu.memref_squeeze %dma_wait3A_1408 : memref<1x392x96xf32, #tpu.memory_space<hbm>> -> memref<392x96xf32, #tpu.memory_space<hbm>>
      tpu.wait_dma2 semaphore(%run_scoped3A_1399 : memref<!tpu.dma_semaphore, #tpu.memory_space<semaphore_mem>>) src(%arg9 : memref<392x96xf32, #tpu.memory_space<vmem>>) dst(%dma_wait3A_1409 : memref<392x96xf32, #tpu.memory_space<hbm>>)
      tpu.yield
    }) : () -> ()
    %add3A_709 = arith.constant 896 : i32
    %add3A_710 = arith.addi %add3A_709, %mul3A_2 : i32
    %sub3A_711 = arith.constant 16 : i32
    %sub3A_712 = arith.subi %add3A_710, %sub3A_711 : i32
    %run_scoped3A_713 = arith.constant 1 : i32
    "tpu.region"() ({
      %run_scoped3A_1399 = tpu.sem_alloc : memref<!tpu.dma_semaphore, #tpu.memory_space<semaphore_mem>>
      %dma_start3A = arith.constant 0 : i32
      %dma_start3A_1400 = tpu.memref_slice %arg2[%run_scoped3A_713, %sub3A_712, %dma_start3A] : memref<2x14336x96xf32, #tpu.memory_space<hbm>> -> memref<1x424x96xf32, #tpu.memory_space<hbm>>
      %dma_start3A_1401 = tpu.memref_squeeze %dma_start3A_1400 : memref<1x424x96xf32, #tpu.memory_space<hbm>> -> memref<424x96xf32, #tpu.memory_space<hbm>>
      %dma_start3A_1402 = arith.constant 0 : i32
      %dma_start3A_1403 = tpu.memref_slice %arg2[%run_scoped3A_713, %sub3A_712, %dma_start3A_1402] : memref<2x14336x96xf32, #tpu.memory_space<hbm>> -> memref<1x424x96xf32, #tpu.memory_space<hbm>>
      %dma_start3A_1404 = tpu.memref_squeeze %dma_start3A_1403 : memref<1x424x96xf32, #tpu.memory_space<hbm>> -> memref<424x96xf32, #tpu.memory_space<hbm>>
      tpu.enqueue_dma source(%dma_start3A_1404 : memref<424x96xf32, #tpu.memory_space<hbm>>) target(%arg6 : memref<424x96xf32, #tpu.memory_space<vmem>>) target_semaphore(%run_scoped3A_1399 : memref<!tpu.dma_semaphore, #tpu.memory_space<semaphore_mem>>)
      %dma_wait3A = arith.constant 0 : i32
      %dma_wait3A_1405 = tpu.memref_slice %arg2[%run_scoped3A_713, %sub3A_712, %dma_wait3A] : memref<2x14336x96xf32, #tpu.memory_space<hbm>> -> memref<1x424x96xf32, #tpu.memory_space<hbm>>
      %dma_wait3A_1406 = tpu.memref_squeeze %dma_wait3A_1405 : memref<1x424x96xf32, #tpu.memory_space<hbm>> -> memref<424x96xf32, #tpu.memory_space<hbm>>
      %dma_wait3A_1407 = arith.constant 0 : i32
      %dma_wait3A_1408 = tpu.memref_slice %arg2[%run_scoped3A_713, %sub3A_712, %dma_wait3A_1407] : memref<2x14336x96xf32, #tpu.memory_space<hbm>> -> memref<1x424x96xf32, #tpu.memory_space<hbm>>
      %dma_wait3A_1409 = tpu.memref_squeeze %dma_wait3A_1408 : memref<1x424x96xf32, #tpu.memory_space<hbm>> -> memref<424x96xf32, #tpu.memory_space<hbm>>
      tpu.wait_dma2 semaphore(%run_scoped3A_1399 : memref<!tpu.dma_semaphore, #tpu.memory_space<semaphore_mem>>) src(%dma_wait3A_1409 : memref<424x96xf32, #tpu.memory_space<hbm>>) dst(%arg6 : memref<424x96xf32, #tpu.memory_space<vmem>>)
      tpu.yield
    }) : () -> ()
    %get3A_714 = arith.constant 7 : i32
    %get3A_715 = arith.index_cast %get3A_714 : i32 to index
    %get3A_716 = arith.constant 0 : index
    %get3A_717 = tpu.vector_load %arg6[%get3A_715, %get3A_716] {strides = array<i32>} : memref<424x96xf32, #tpu.memory_space<vmem>>, vector<1x16xf32>,
    %get3A_718 = vector.shape_cast %get3A_717 : vector<1x16xf32> to vector<16xf32>
    %get3A_719 = arith.constant 7 : i32
    %get3A_720 = arith.index_cast %get3A_719 : i32 to index
    %get3A_721 = arith.constant 16 : index
    %get3A_722 = tpu.vector_load %arg6[%get3A_720, %get3A_721] {strides = array<i32>} : memref<424x96xf32, #tpu.memory_space<vmem>>, vector<1x16xf32>,
    %get3A_723 = vector.shape_cast %get3A_722 : vector<1x16xf32> to vector<16xf32>
    %get3A_724 = arith.constant 7 : i32
    %get3A_725 = arith.index_cast %get3A_724 : i32 to index
    %get3A_726 = arith.constant 32 : index
    %get3A_727 = tpu.vector_load %arg6[%get3A_725, %get3A_726] {strides = array<i32>} : memref<424x96xf32, #tpu.memory_space<vmem>>, vector<1x16xf32>,
    %get3A_728 = vector.shape_cast %get3A_727 : vector<1x16xf32> to vector<16xf32>
    %get3A_729 = arith.constant 7 : i32
    %get3A_730 = arith.index_cast %get3A_729 : i32 to index
    %get3A_731 = arith.constant 48 : index
    %get3A_732 = tpu.vector_load %arg6[%get3A_730, %get3A_731] {strides = array<i32>} : memref<424x96xf32, #tpu.memory_space<vmem>>, vector<1x16xf32>,
    %get3A_733 = vector.shape_cast %get3A_732 : vector<1x16xf32> to vector<16xf32>
    %get3A_734 = arith.constant 7 : i32
    %get3A_735 = arith.index_cast %get3A_734 : i32 to index
    %get3A_736 = arith.constant 64 : index
    %get3A_737 = tpu.vector_load %arg6[%get3A_735, %get3A_736] {strides = array<i32>} : memref<424x96xf32, #tpu.memory_space<vmem>>, vector<1x16xf32>,
    %get3A_738 = vector.shape_cast %get3A_737 : vector<1x16xf32> to vector<16xf32>
    %get3A_739 = arith.constant 7 : i32
    %get3A_740 = arith.index_cast %get3A_739 : i32 to index
    %get3A_741 = arith.constant 80 : index
    %get3A_742 = tpu.vector_load %arg6[%get3A_740, %get3A_741] {strides = array<i32>} : memref<424x96xf32, #tpu.memory_space<vmem>>, vector<1x16xf32>,
    %get3A_743 = vector.shape_cast %get3A_742 : vector<1x16xf32> to vector<16xf32>
    %get3A_744 = arith.constant 8 : i32
    %get3A_745 = arith.index_cast %get3A_744 : i32 to index
    %get3A_746 = arith.constant 0 : index
    %get3A_747 = tpu.vector_load %arg6[%get3A_745, %get3A_746] {strides = array<i32>} : memref<424x96xf32, #tpu.memory_space<vmem>>, vector<1x16xf32>,
    %get3A_748 = vector.shape_cast %get3A_747 : vector<1x16xf32> to vector<16xf32>
    %add3A_749 = arith.addf %get3A_718, %get3A_748 : vector<16xf32>
    %get3A_750 = arith.constant 8 : i32
    %get3A_751 = arith.index_cast %get3A_750 : i32 to index
    %get3A_752 = arith.constant 16 : index
    %get3A_753 = tpu.vector_load %arg6[%get3A_751, %get3A_752] {strides = array<i32>} : memref<424x96xf32, #tpu.memory_space<vmem>>, vector<1x16xf32>,
    %get3A_754 = vector.shape_cast %get3A_753 : vector<1x16xf32> to vector<16xf32>
    %add3A_755 = arith.addf %get3A_723, %get3A_754 : vector<16xf32>
    %get3A_756 = arith.constant 8 : i32
    %get3A_757 = arith.index_cast %get3A_756 : i32 to index
    %get3A_758 = arith.constant 32 : index
    %get3A_759 = tpu.vector_load %arg6[%get3A_757, %get3A_758] {strides = array<i32>} : memref<424x96xf32, #tpu.memory_space<vmem>>, vector<1x16xf32>,
    %get3A_760 = vector.shape_cast %get3A_759 : vector<1x16xf32> to vector<16xf32>
    %add3A_761 = arith.addf %get3A_728, %get3A_760 : vector<16xf32>
    %get3A_762 = arith.constant 8 : i32
    %get3A_763 = arith.index_cast %get3A_762 : i32 to index
    %get3A_764 = arith.constant 48 : index
    %get3A_765 = tpu.vector_load %arg6[%get3A_763, %get3A_764] {strides = array<i32>} : memref<424x96xf32, #tpu.memory_space<vmem>>, vector<1x16xf32>,
    %get3A_766 = vector.shape_cast %get3A_765 : vector<1x16xf32> to vector<16xf32>
    %add3A_767 = arith.addf %get3A_733, %get3A_766 : vector<16xf32>
    %get3A_768 = arith.constant 8 : i32
    %get3A_769 = arith.index_cast %get3A_768 : i32 to index
    %get3A_770 = arith.constant 64 : index
    %get3A_771 = tpu.vector_load %arg6[%get3A_769, %get3A_770] {strides = array<i32>} : memref<424x96xf32, #tpu.memory_space<vmem>>, vector<1x16xf32>,
    %get3A_772 = vector.shape_cast %get3A_771 : vector<1x16xf32> to vector<16xf32>
    %add3A_773 = arith.addf %get3A_738, %get3A_772 : vector<16xf32>
    %get3A_774 = arith.constant 8 : i32
    %get3A_775 = arith.index_cast %get3A_774 : i32 to index
    %get3A_776 = arith.constant 80 : index
    %get3A_777 = tpu.vector_load %arg6[%get3A_775, %get3A_776] {strides = array<i32>} : memref<424x96xf32, #tpu.memory_space<vmem>>, vector<1x16xf32>,
    %get3A_778 = vector.shape_cast %get3A_777 : vector<1x16xf32> to vector<16xf32>
    %add3A_779 = arith.addf %get3A_743, %get3A_778 : vector<16xf32>
    %get3A_780 = arith.constant 9 : i32
    %get3A_781 = arith.index_cast %get3A_780 : i32 to index
    %get3A_782 = arith.constant 0 : index
    %get3A_783 = tpu.vector_load %arg6[%get3A_781, %get3A_782] {strides = array<i32>} : memref<424x96xf32, #tpu.memory_space<vmem>>, vector<1x16xf32>,
    %get3A_784 = vector.shape_cast %get3A_783 : vector<1x16xf32> to vector<16xf32>
    %add3A_785 = arith.addf %add3A_749, %get3A_784 : vector<16xf32>
    %get3A_786 = arith.constant 9 : i32
    %get3A_787 = arith.index_cast %get3A_786 : i32 to index
    %get3A_788 = arith.constant 16 : index
    %get3A_789 = tpu.vector_load %arg6[%get3A_787, %get3A_788] {strides = array<i32>} : memref<424x96xf32, #tpu.memory_space<vmem>>, vector<1x16xf32>,
    %get3A_790 = vector.shape_cast %get3A_789 : vector<1x16xf32> to vector<16xf32>
    %add3A_791 = arith.addf %add3A_755, %get3A_790 : vector<16xf32>
    %get3A_792 = arith.constant 9 : i32
    %get3A_793 = arith.index_cast %get3A_792 : i32 to index
    %get3A_794 = arith.constant 32 : index
    %get3A_795 = tpu.vector_load %arg6[%get3A_793, %get3A_794] {strides = array<i32>} : memref<424x96xf32, #tpu.memory_space<vmem>>, vector<1x16xf32>,
    %get3A_796 = vector.shape_cast %get3A_795 : vector<1x16xf32> to vector<16xf32>
    %add3A_797 = arith.addf %add3A_761, %get3A_796 : vector<16xf32>
    %get3A_798 = arith.constant 9 : i32
    %get3A_799 = arith.index_cast %get3A_798 : i32 to index
    %get3A_800 = arith.constant 48 : index
    %get3A_801 = tpu.vector_load %arg6[%get3A_799, %get3A_800] {strides = array<i32>} : memref<424x96xf32, #tpu.memory_space<vmem>>, vector<1x16xf32>,
    %get3A_802 = vector.shape_cast %get3A_801 : vector<1x16xf32> to vector<16xf32>
    %add3A_803 = arith.addf %add3A_767, %get3A_802 : vector<16xf32>
    %get3A_804 = arith.constant 9 : i32
    %get3A_805 = arith.index_cast %get3A_804 : i32 to index
    %get3A_806 = arith.constant 64 : index
    %get3A_807 = tpu.vector_load %arg6[%get3A_805, %get3A_806] {strides = array<i32>} : memref<424x96xf32, #tpu.memory_space<vmem>>, vector<1x16xf32>,
    %get3A_808 = vector.shape_cast %get3A_807 : vector<1x16xf32> to vector<16xf32>
    %add3A_809 = arith.addf %add3A_773, %get3A_808 : vector<16xf32>
    %get3A_810 = arith.constant 9 : i32
    %get3A_811 = arith.index_cast %get3A_810 : i32 to index
    %get3A_812 = arith.constant 80 : index
    %get3A_813 = tpu.vector_load %arg6[%get3A_811, %get3A_812] {strides = array<i32>} : memref<424x96xf32, #tpu.memory_space<vmem>>, vector<1x16xf32>,
    %get3A_814 = vector.shape_cast %get3A_813 : vector<1x16xf32> to vector<16xf32>
    %add3A_815 = arith.addf %add3A_779, %get3A_814 : vector<16xf32>
    %get3A_816 = arith.constant 10 : i32
    %get3A_817 = arith.index_cast %get3A_816 : i32 to index
    %get3A_818 = arith.constant 0 : index
    %get3A_819 = tpu.vector_load %arg6[%get3A_817, %get3A_818] {strides = array<i32>} : memref<424x96xf32, #tpu.memory_space<vmem>>, vector<1x16xf32>,
    %get3A_820 = vector.shape_cast %get3A_819 : vector<1x16xf32> to vector<16xf32>
    %add3A_821 = arith.addf %add3A_785, %get3A_820 : vector<16xf32>
    %get3A_822 = arith.constant 10 : i32
    %get3A_823 = arith.index_cast %get3A_822 : i32 to index
    %get3A_824 = arith.constant 16 : index
    %get3A_825 = tpu.vector_load %arg6[%get3A_823, %get3A_824] {strides = array<i32>} : memref<424x96xf32, #tpu.memory_space<vmem>>, vector<1x16xf32>,
    %get3A_826 = vector.shape_cast %get3A_825 : vector<1x16xf32> to vector<16xf32>
    %add3A_827 = arith.addf %add3A_791, %get3A_826 : vector<16xf32>
    %get3A_828 = arith.constant 10 : i32
    %get3A_829 = arith.index_cast %get3A_828 : i32 to index
    %get3A_830 = arith.constant 32 : index
    %get3A_831 = tpu.vector_load %arg6[%get3A_829, %get3A_830] {strides = array<i32>} : memref<424x96xf32, #tpu.memory_space<vmem>>, vector<1x16xf32>,
    %get3A_832 = vector.shape_cast %get3A_831 : vector<1x16xf32> to vector<16xf32>
    %add3A_833 = arith.addf %add3A_797, %get3A_832 : vector<16xf32>
    %get3A_834 = arith.constant 10 : i32
    %get3A_835 = arith.index_cast %get3A_834 : i32 to index
    %get3A_836 = arith.constant 48 : index
    %get3A_837 = tpu.vector_load %arg6[%get3A_835, %get3A_836] {strides = array<i32>} : memref<424x96xf32, #tpu.memory_space<vmem>>, vector<1x16xf32>,
    %get3A_838 = vector.shape_cast %get3A_837 : vector<1x16xf32> to vector<16xf32>
    %add3A_839 = arith.addf %add3A_803, %get3A_838 : vector<16xf32>
    %get3A_840 = arith.constant 10 : i32
    %get3A_841 = arith.index_cast %get3A_840 : i32 to index
    %get3A_842 = arith.constant 64 : index
    %get3A_843 = tpu.vector_load %arg6[%get3A_841, %get3A_842] {strides = array<i32>} : memref<424x96xf32, #tpu.memory_space<vmem>>, vector<1x16xf32>,
    %get3A_844 = vector.shape_cast %get3A_843 : vector<1x16xf32> to vector<16xf32>
    %add3A_845 = arith.addf %add3A_809, %get3A_844 : vector<16xf32>
    %get3A_846 = arith.constant 10 : i32
    %get3A_847 = arith.index_cast %get3A_846 : i32 to index
    %get3A_848 = arith.constant 80 : index
    %get3A_849 = tpu.vector_load %arg6[%get3A_847, %get3A_848] {strides = array<i32>} : memref<424x96xf32, #tpu.memory_space<vmem>>, vector<1x16xf32>,
    %get3A_850 = vector.shape_cast %get3A_849 : vector<1x16xf32> to vector<16xf32>
    %add3A_851 = arith.addf %add3A_815, %get3A_850 : vector<16xf32>
    %get3A_852 = arith.constant 11 : i32
    %get3A_853 = arith.index_cast %get3A_852 : i32 to index
    %get3A_854 = arith.constant 0 : index
    %get3A_855 = tpu.vector_load %arg6[%get3A_853, %get3A_854] {strides = array<i32>} : memref<424x96xf32, #tpu.memory_space<vmem>>, vector<1x16xf32>,
    %get3A_856 = vector.shape_cast %get3A_855 : vector<1x16xf32> to vector<16xf32>
    %add3A_857 = arith.addf %add3A_821, %get3A_856 : vector<16xf32>
    %get3A_858 = arith.constant 11 : i32
    %get3A_859 = arith.index_cast %get3A_858 : i32 to index
    %get3A_860 = arith.constant 16 : index
    %get3A_861 = tpu.vector_load %arg6[%get3A_859, %get3A_860] {strides = array<i32>} : memref<424x96xf32, #tpu.memory_space<vmem>>, vector<1x16xf32>,
    %get3A_862 = vector.shape_cast %get3A_861 : vector<1x16xf32> to vector<16xf32>
    %add3A_863 = arith.addf %add3A_827, %get3A_862 : vector<16xf32>
    %get3A_864 = arith.constant 11 : i32
    %get3A_865 = arith.index_cast %get3A_864 : i32 to index
    %get3A_866 = arith.constant 32 : index
    %get3A_867 = tpu.vector_load %arg6[%get3A_865, %get3A_866] {strides = array<i32>} : memref<424x96xf32, #tpu.memory_space<vmem>>, vector<1x16xf32>,
    %get3A_868 = vector.shape_cast %get3A_867 : vector<1x16xf32> to vector<16xf32>
    %add3A_869 = arith.addf %add3A_833, %get3A_868 : vector<16xf32>
    %get3A_870 = arith.constant 11 : i32
    %get3A_871 = arith.index_cast %get3A_870 : i32 to index
    %get3A_872 = arith.constant 48 : index
    %get3A_873 = tpu.vector_load %arg6[%get3A_871, %get3A_872] {strides = array<i32>} : memref<424x96xf32, #tpu.memory_space<vmem>>, vector<1x16xf32>,
    %get3A_874 = vector.shape_cast %get3A_873 : vector<1x16xf32> to vector<16xf32>
    %add3A_875 = arith.addf %add3A_839, %get3A_874 : vector<16xf32>
    %get3A_876 = arith.constant 11 : i32
    %get3A_877 = arith.index_cast %get3A_876 : i32 to index
    %get3A_878 = arith.constant 64 : index
    %get3A_879 = tpu.vector_load %arg6[%get3A_877, %get3A_878] {strides = array<i32>} : memref<424x96xf32, #tpu.memory_space<vmem>>, vector<1x16xf32>,
    %get3A_880 = vector.shape_cast %get3A_879 : vector<1x16xf32> to vector<16xf32>
    %add3A_881 = arith.addf %add3A_845, %get3A_880 : vector<16xf32>
    %get3A_882 = arith.constant 11 : i32
    %get3A_883 = arith.index_cast %get3A_882 : i32 to index
    %get3A_884 = arith.constant 80 : index
    %get3A_885 = tpu.vector_load %arg6[%get3A_883, %get3A_884] {strides = array<i32>} : memref<424x96xf32, #tpu.memory_space<vmem>>, vector<1x16xf32>,
    %get3A_886 = vector.shape_cast %get3A_885 : vector<1x16xf32> to vector<16xf32>
    %add3A_887 = arith.addf %add3A_851, %get3A_886 : vector<16xf32>
    %get3A_888 = arith.constant 12 : i32
    %get3A_889 = arith.index_cast %get3A_888 : i32 to index
    %get3A_890 = arith.constant 0 : index
    %get3A_891 = tpu.vector_load %arg6[%get3A_889, %get3A_890] {strides = array<i32>} : memref<424x96xf32, #tpu.memory_space<vmem>>, vector<1x16xf32>,
    %get3A_892 = vector.shape_cast %get3A_891 : vector<1x16xf32> to vector<16xf32>
    %add3A_893 = arith.addf %add3A_857, %get3A_892 : vector<16xf32>
    %get3A_894 = arith.constant 12 : i32
    %get3A_895 = arith.index_cast %get3A_894 : i32 to index
    %get3A_896 = arith.constant 16 : index
    %get3A_897 = tpu.vector_load %arg6[%get3A_895, %get3A_896] {strides = array<i32>} : memref<424x96xf32, #tpu.memory_space<vmem>>, vector<1x16xf32>,
    %get3A_898 = vector.shape_cast %get3A_897 : vector<1x16xf32> to vector<16xf32>
    %add3A_899 = arith.addf %add3A_863, %get3A_898 : vector<16xf32>
    %get3A_900 = arith.constant 12 : i32
    %get3A_901 = arith.index_cast %get3A_900 : i32 to index
    %get3A_902 = arith.constant 32 : index
    %get3A_903 = tpu.vector_load %arg6[%get3A_901, %get3A_902] {strides = array<i32>} : memref<424x96xf32, #tpu.memory_space<vmem>>, vector<1x16xf32>,
    %get3A_904 = vector.shape_cast %get3A_903 : vector<1x16xf32> to vector<16xf32>
    %add3A_905 = arith.addf %add3A_869, %get3A_904 : vector<16xf32>
    %get3A_906 = arith.constant 12 : i32
    %get3A_907 = arith.index_cast %get3A_906 : i32 to index
    %get3A_908 = arith.constant 48 : index
    %get3A_909 = tpu.vector_load %arg6[%get3A_907, %get3A_908] {strides = array<i32>} : memref<424x96xf32, #tpu.memory_space<vmem>>, vector<1x16xf32>,
    %get3A_910 = vector.shape_cast %get3A_909 : vector<1x16xf32> to vector<16xf32>
    %add3A_911 = arith.addf %add3A_875, %get3A_910 : vector<16xf32>
    %get3A_912 = arith.constant 12 : i32
    %get3A_913 = arith.index_cast %get3A_912 : i32 to index
    %get3A_914 = arith.constant 64 : index
    %get3A_915 = tpu.vector_load %arg6[%get3A_913, %get3A_914] {strides = array<i32>} : memref<424x96xf32, #tpu.memory_space<vmem>>, vector<1x16xf32>,
    %get3A_916 = vector.shape_cast %get3A_915 : vector<1x16xf32> to vector<16xf32>
    %add3A_917 = arith.addf %add3A_881, %get3A_916 : vector<16xf32>
    %get3A_918 = arith.constant 12 : i32
    %get3A_919 = arith.index_cast %get3A_918 : i32 to index
    %get3A_920 = arith.constant 80 : index
    %get3A_921 = tpu.vector_load %arg6[%get3A_919, %get3A_920] {strides = array<i32>} : memref<424x96xf32, #tpu.memory_space<vmem>>, vector<1x16xf32>,
    %get3A_922 = vector.shape_cast %get3A_921 : vector<1x16xf32> to vector<16xf32>
    %add3A_923 = arith.addf %add3A_887, %get3A_922 : vector<16xf32>
    %get3A_924 = arith.constant 13 : i32
    %get3A_925 = arith.index_cast %get3A_924 : i32 to index
    %get3A_926 = arith.constant 0 : index
    %get3A_927 = tpu.vector_load %arg6[%get3A_925, %get3A_926] {strides = array<i32>} : memref<424x96xf32, #tpu.memory_space<vmem>>, vector<1x16xf32>,
    %get3A_928 = vector.shape_cast %get3A_927 : vector<1x16xf32> to vector<16xf32>
    %add3A_929 = arith.addf %add3A_893, %get3A_928 : vector<16xf32>
    %get3A_930 = arith.constant 13 : i32
    %get3A_931 = arith.index_cast %get3A_930 : i32 to index
    %get3A_932 = arith.constant 16 : index
    %get3A_933 = tpu.vector_load %arg6[%get3A_931, %get3A_932] {strides = array<i32>} : memref<424x96xf32, #tpu.memory_space<vmem>>, vector<1x16xf32>,
    %get3A_934 = vector.shape_cast %get3A_933 : vector<1x16xf32> to vector<16xf32>
    %add3A_935 = arith.addf %add3A_899, %get3A_934 : vector<16xf32>
    %get3A_936 = arith.constant 13 : i32
    %get3A_937 = arith.index_cast %get3A_936 : i32 to index
    %get3A_938 = arith.constant 32 : index
    %get3A_939 = tpu.vector_load %arg6[%get3A_937, %get3A_938] {strides = array<i32>} : memref<424x96xf32, #tpu.memory_space<vmem>>, vector<1x16xf32>,
    %get3A_940 = vector.shape_cast %get3A_939 : vector<1x16xf32> to vector<16xf32>
    %add3A_941 = arith.addf %add3A_905, %get3A_940 : vector<16xf32>
    %get3A_942 = arith.constant 13 : i32
    %get3A_943 = arith.index_cast %get3A_942 : i32 to index
    %get3A_944 = arith.constant 48 : index
    %get3A_945 = tpu.vector_load %arg6[%get3A_943, %get3A_944] {strides = array<i32>} : memref<424x96xf32, #tpu.memory_space<vmem>>, vector<1x16xf32>,
    %get3A_946 = vector.shape_cast %get3A_945 : vector<1x16xf32> to vector<16xf32>
    %add3A_947 = arith.addf %add3A_911, %get3A_946 : vector<16xf32>
    %get3A_948 = arith.constant 13 : i32
    %get3A_949 = arith.index_cast %get3A_948 : i32 to index
    %get3A_950 = arith.constant 64 : index
    %get3A_951 = tpu.vector_load %arg6[%get3A_949, %get3A_950] {strides = array<i32>} : memref<424x96xf32, #tpu.memory_space<vmem>>, vector<1x16xf32>,
    %get3A_952 = vector.shape_cast %get3A_951 : vector<1x16xf32> to vector<16xf32>
    %add3A_953 = arith.addf %add3A_917, %get3A_952 : vector<16xf32>
    %get3A_954 = arith.constant 13 : i32
    %get3A_955 = arith.index_cast %get3A_954 : i32 to index
    %get3A_956 = arith.constant 80 : index
    %get3A_957 = tpu.vector_load %arg6[%get3A_955, %get3A_956] {strides = array<i32>} : memref<424x96xf32, #tpu.memory_space<vmem>>, vector<1x16xf32>,
    %get3A_958 = vector.shape_cast %get3A_957 : vector<1x16xf32> to vector<16xf32>
    %add3A_959 = arith.addf %add3A_923, %get3A_958 : vector<16xf32>
    %get3A_960 = arith.constant 14 : i32
    %get3A_961 = arith.index_cast %get3A_960 : i32 to index
    %get3A_962 = arith.constant 0 : index
    %get3A_963 = tpu.vector_load %arg6[%get3A_961, %get3A_962] {strides = array<i32>} : memref<424x96xf32, #tpu.memory_space<vmem>>, vector<1x16xf32>,
    %get3A_964 = vector.shape_cast %get3A_963 : vector<1x16xf32> to vector<16xf32>
    %add3A_965 = arith.addf %add3A_929, %get3A_964 : vector<16xf32>
    %get3A_966 = arith.constant 14 : i32
    %get3A_967 = arith.index_cast %get3A_966 : i32 to index
    %get3A_968 = arith.constant 16 : index
    %get3A_969 = tpu.vector_load %arg6[%get3A_967, %get3A_968] {strides = array<i32>} : memref<424x96xf32, #tpu.memory_space<vmem>>, vector<1x16xf32>,
    %get3A_970 = vector.shape_cast %get3A_969 : vector<1x16xf32> to vector<16xf32>
    %add3A_971 = arith.addf %add3A_935, %get3A_970 : vector<16xf32>
    %get3A_972 = arith.constant 14 : i32
    %get3A_973 = arith.index_cast %get3A_972 : i32 to index
    %get3A_974 = arith.constant 32 : index
    %get3A_975 = tpu.vector_load %arg6[%get3A_973, %get3A_974] {strides = array<i32>} : memref<424x96xf32, #tpu.memory_space<vmem>>, vector<1x16xf32>,
    %get3A_976 = vector.shape_cast %get3A_975 : vector<1x16xf32> to vector<16xf32>
    %add3A_977 = arith.addf %add3A_941, %get3A_976 : vector<16xf32>
    %get3A_978 = arith.constant 14 : i32
    %get3A_979 = arith.index_cast %get3A_978 : i32 to index
    %get3A_980 = arith.constant 48 : index
    %get3A_981 = tpu.vector_load %arg6[%get3A_979, %get3A_980] {strides = array<i32>} : memref<424x96xf32, #tpu.memory_space<vmem>>, vector<1x16xf32>,
    %get3A_982 = vector.shape_cast %get3A_981 : vector<1x16xf32> to vector<16xf32>
    %add3A_983 = arith.addf %add3A_947, %get3A_982 : vector<16xf32>
    %get3A_984 = arith.constant 14 : i32
    %get3A_985 = arith.index_cast %get3A_984 : i32 to index
    %get3A_986 = arith.constant 64 : index
    %get3A_987 = tpu.vector_load %arg6[%get3A_985, %get3A_986] {strides = array<i32>} : memref<424x96xf32, #tpu.memory_space<vmem>>, vector<1x16xf32>,
    %get3A_988 = vector.shape_cast %get3A_987 : vector<1x16xf32> to vector<16xf32>
    %add3A_989 = arith.addf %add3A_953, %get3A_988 : vector<16xf32>
    %get3A_990 = arith.constant 14 : i32
    %get3A_991 = arith.index_cast %get3A_990 : i32 to index
    %get3A_992 = arith.constant 80 : index
    %get3A_993 = tpu.vector_load %arg6[%get3A_991, %get3A_992] {strides = array<i32>} : memref<424x96xf32, #tpu.memory_space<vmem>>, vector<1x16xf32>,
    %get3A_994 = vector.shape_cast %get3A_993 : vector<1x16xf32> to vector<16xf32>
    %add3A_995 = arith.addf %add3A_959, %get3A_994 : vector<16xf32>
    %get3A_996 = arith.constant 15 : i32
    %get3A_997 = arith.index_cast %get3A_996 : i32 to index
    %get3A_998 = arith.constant 0 : index
    %get3A_999 = tpu.vector_load %arg6[%get3A_997, %get3A_998] {strides = array<i32>} : memref<424x96xf32, #tpu.memory_space<vmem>>, vector<1x16xf32>,
    %get3A_1000 = vector.shape_cast %get3A_999 : vector<1x16xf32> to vector<16xf32>
    %add3A_1001 = arith.addf %add3A_965, %get3A_1000 : vector<16xf32>
    %get3A_1002 = arith.constant 15 : i32
    %get3A_1003 = arith.index_cast %get3A_1002 : i32 to index
    %get3A_1004 = arith.constant 16 : index
    %get3A_1005 = tpu.vector_load %arg6[%get3A_1003, %get3A_1004] {strides = array<i32>} : memref<424x96xf32, #tpu.memory_space<vmem>>, vector<1x16xf32>,
    %get3A_1006 = vector.shape_cast %get3A_1005 : vector<1x16xf32> to vector<16xf32>
    %add3A_1007 = arith.addf %add3A_971, %get3A_1006 : vector<16xf32>
    %get3A_1008 = arith.constant 15 : i32
    %get3A_1009 = arith.index_cast %get3A_1008 : i32 to index
    %get3A_1010 = arith.constant 32 : index
    %get3A_1011 = tpu.vector_load %arg6[%get3A_1009, %get3A_1010] {strides = array<i32>} : memref<424x96xf32, #tpu.memory_space<vmem>>, vector<1x16xf32>,
    %get3A_1012 = vector.shape_cast %get3A_1011 : vector<1x16xf32> to vector<16xf32>
    %add3A_1013 = arith.addf %add3A_977, %get3A_1012 : vector<16xf32>
    %get3A_1014 = arith.constant 15 : i32
    %get3A_1015 = arith.index_cast %get3A_1014 : i32 to index
    %get3A_1016 = arith.constant 48 : index
    %get3A_1017 = tpu.vector_load %arg6[%get3A_1015, %get3A_1016] {strides = array<i32>} : memref<424x96xf32, #tpu.memory_space<vmem>>, vector<1x16xf32>,
    %get3A_1018 = vector.shape_cast %get3A_1017 : vector<1x16xf32> to vector<16xf32>
    %add3A_1019 = arith.addf %add3A_983, %get3A_1018 : vector<16xf32>
    %get3A_1020 = arith.constant 15 : i32
    %get3A_1021 = arith.index_cast %get3A_1020 : i32 to index
    %get3A_1022 = arith.constant 64 : index
    %get3A_1023 = tpu.vector_load %arg6[%get3A_1021, %get3A_1022] {strides = array<i32>} : memref<424x96xf32, #tpu.memory_space<vmem>>, vector<1x16xf32>,
    %get3A_1024 = vector.shape_cast %get3A_1023 : vector<1x16xf32> to vector<16xf32>
    %add3A_1025 = arith.addf %add3A_989, %get3A_1024 : vector<16xf32>
    %get3A_1026 = arith.constant 15 : i32
    %get3A_1027 = arith.index_cast %get3A_1026 : i32 to index
    %get3A_1028 = arith.constant 80 : index
    %get3A_1029 = tpu.vector_load %arg6[%get3A_1027, %get3A_1028] {strides = array<i32>} : memref<424x96xf32, #tpu.memory_space<vmem>>, vector<1x16xf32>,
    %get3A_1030 = vector.shape_cast %get3A_1029 : vector<1x16xf32> to vector<16xf32>
    %add3A_1031 = arith.addf %add3A_995, %get3A_1030 : vector<16xf32>
    %get3A_1032 = arith.constant 16 : i32
    %get3A_1033 = arith.index_cast %get3A_1032 : i32 to index
    %get3A_1034 = arith.constant 0 : index
    %get3A_1035 = tpu.vector_load %arg6[%get3A_1033, %get3A_1034] {strides = array<i32>} : memref<424x96xf32, #tpu.memory_space<vmem>>, vector<1x16xf32>,
    %get3A_1036 = vector.shape_cast %get3A_1035 : vector<1x16xf32> to vector<16xf32>
    %add3A_1037 = arith.addf %add3A_1001, %get3A_1036 : vector<16xf32>
    %get3A_1038 = arith.constant 16 : i32
    %get3A_1039 = arith.index_cast %get3A_1038 : i32 to index
    %get3A_1040 = arith.constant 16 : index
    %get3A_1041 = tpu.vector_load %arg6[%get3A_1039, %get3A_1040] {strides = array<i32>} : memref<424x96xf32, #tpu.memory_space<vmem>>, vector<1x16xf32>,
    %get3A_1042 = vector.shape_cast %get3A_1041 : vector<1x16xf32> to vector<16xf32>
    %add3A_1043 = arith.addf %add3A_1007, %get3A_1042 : vector<16xf32>
    %get3A_1044 = arith.constant 16 : i32
    %get3A_1045 = arith.index_cast %get3A_1044 : i32 to index
    %get3A_1046 = arith.constant 32 : index
    %get3A_1047 = tpu.vector_load %arg6[%get3A_1045, %get3A_1046] {strides = array<i32>} : memref<424x96xf32, #tpu.memory_space<vmem>>, vector<1x16xf32>,
    %get3A_1048 = vector.shape_cast %get3A_1047 : vector<1x16xf32> to vector<16xf32>
    %add3A_1049 = arith.addf %add3A_1013, %get3A_1048 : vector<16xf32>
    %get3A_1050 = arith.constant 16 : i32
    %get3A_1051 = arith.index_cast %get3A_1050 : i32 to index
    %get3A_1052 = arith.constant 48 : index
    %get3A_1053 = tpu.vector_load %arg6[%get3A_1051, %get3A_1052] {strides = array<i32>} : memref<424x96xf32, #tpu.memory_space<vmem>>, vector<1x16xf32>,
    %get3A_1054 = vector.shape_cast %get3A_1053 : vector<1x16xf32> to vector<16xf32>
    %add3A_1055 = arith.addf %add3A_1019, %get3A_1054 : vector<16xf32>
    %get3A_1056 = arith.constant 16 : i32
    %get3A_1057 = arith.index_cast %get3A_1056 : i32 to index
    %get3A_1058 = arith.constant 64 : index
    %get3A_1059 = tpu.vector_load %arg6[%get3A_1057, %get3A_1058] {strides = array<i32>} : memref<424x96xf32, #tpu.memory_space<vmem>>, vector<1x16xf32>,
    %get3A_1060 = vector.shape_cast %get3A_1059 : vector<1x16xf32> to vector<16xf32>
    %add3A_1061 = arith.addf %add3A_1025, %get3A_1060 : vector<16xf32>
    %get3A_1062 = arith.constant 16 : i32
    %get3A_1063 = arith.index_cast %get3A_1062 : i32 to index
    %get3A_1064 = arith.constant 80 : index
    %get3A_1065 = tpu.vector_load %arg6[%get3A_1063, %get3A_1064] {strides = array<i32>} : memref<424x96xf32, #tpu.memory_space<vmem>>, vector<1x16xf32>,
    %get3A_1066 = vector.shape_cast %get3A_1065 : vector<1x16xf32> to vector<16xf32>
    %add3A_1067 = arith.addf %add3A_1031, %get3A_1066 : vector<16xf32>
    %get3A_1068 = arith.constant 17 : i32
    %get3A_1069 = arith.index_cast %get3A_1068 : i32 to index
    %get3A_1070 = arith.constant 0 : index
    %get3A_1071 = tpu.vector_load %arg6[%get3A_1069, %get3A_1070] {strides = array<i32>} : memref<424x96xf32, #tpu.memory_space<vmem>>, vector<1x16xf32>,
    %get3A_1072 = vector.shape_cast %get3A_1071 : vector<1x16xf32> to vector<16xf32>
    %add3A_1073 = arith.addf %add3A_1037, %get3A_1072 : vector<16xf32>
    %get3A_1074 = arith.constant 17 : i32
    %get3A_1075 = arith.index_cast %get3A_1074 : i32 to index
    %get3A_1076 = arith.constant 16 : index
    %get3A_1077 = tpu.vector_load %arg6[%get3A_1075, %get3A_1076] {strides = array<i32>} : memref<424x96xf32, #tpu.memory_space<vmem>>, vector<1x16xf32>,
    %get3A_1078 = vector.shape_cast %get3A_1077 : vector<1x16xf32> to vector<16xf32>
    %add3A_1079 = arith.addf %add3A_1043, %get3A_1078 : vector<16xf32>
    %get3A_1080 = arith.constant 17 : i32
    %get3A_1081 = arith.index_cast %get3A_1080 : i32 to index
    %get3A_1082 = arith.constant 32 : index
    %get3A_1083 = tpu.vector_load %arg6[%get3A_1081, %get3A_1082] {strides = array<i32>} : memref<424x96xf32, #tpu.memory_space<vmem>>, vector<1x16xf32>,
    %get3A_1084 = vector.shape_cast %get3A_1083 : vector<1x16xf32> to vector<16xf32>
    %add3A_1085 = arith.addf %add3A_1049, %get3A_1084 : vector<16xf32>
    %get3A_1086 = arith.constant 17 : i32
    %get3A_1087 = arith.index_cast %get3A_1086 : i32 to index
    %get3A_1088 = arith.constant 48 : index
    %get3A_1089 = tpu.vector_load %arg6[%get3A_1087, %get3A_1088] {strides = array<i32>} : memref<424x96xf32, #tpu.memory_space<vmem>>, vector<1x16xf32>,
    %get3A_1090 = vector.shape_cast %get3A_1089 : vector<1x16xf32> to vector<16xf32>
    %add3A_1091 = arith.addf %add3A_1055, %get3A_1090 : vector<16xf32>
    %get3A_1092 = arith.constant 17 : i32
    %get3A_1093 = arith.index_cast %get3A_1092 : i32 to index
    %get3A_1094 = arith.constant 64 : index
    %get3A_1095 = tpu.vector_load %arg6[%get3A_1093, %get3A_1094] {strides = array<i32>} : memref<424x96xf32, #tpu.memory_space<vmem>>, vector<1x16xf32>,
    %get3A_1096 = vector.shape_cast %get3A_1095 : vector<1x16xf32> to vector<16xf32>
    %add3A_1097 = arith.addf %add3A_1061, %get3A_1096 : vector<16xf32>
    %get3A_1098 = arith.constant 17 : i32
    %get3A_1099 = arith.index_cast %get3A_1098 : i32 to index
    %get3A_1100 = arith.constant 80 : index
    %get3A_1101 = tpu.vector_load %arg6[%get3A_1099, %get3A_1100] {strides = array<i32>} : memref<424x96xf32, #tpu.memory_space<vmem>>, vector<1x16xf32>,
    %get3A_1102 = vector.shape_cast %get3A_1101 : vector<1x16xf32> to vector<16xf32>
    %add3A_1103 = arith.addf %add3A_1067, %get3A_1102 : vector<16xf32>
    %get3A_1104 = arith.constant 18 : i32
    %get3A_1105 = arith.index_cast %get3A_1104 : i32 to index
    %get3A_1106 = arith.constant 0 : index
    %get3A_1107 = tpu.vector_load %arg6[%get3A_1105, %get3A_1106] {strides = array<i32>} : memref<424x96xf32, #tpu.memory_space<vmem>>, vector<1x16xf32>,
    %get3A_1108 = vector.shape_cast %get3A_1107 : vector<1x16xf32> to vector<16xf32>
    %add3A_1109 = arith.addf %add3A_1073, %get3A_1108 : vector<16xf32>
    %get3A_1110 = arith.constant 18 : i32
    %get3A_1111 = arith.index_cast %get3A_1110 : i32 to index
    %get3A_1112 = arith.constant 16 : index
    %get3A_1113 = tpu.vector_load %arg6[%get3A_1111, %get3A_1112] {strides = array<i32>} : memref<424x96xf32, #tpu.memory_space<vmem>>, vector<1x16xf32>,
    %get3A_1114 = vector.shape_cast %get3A_1113 : vector<1x16xf32> to vector<16xf32>
    %add3A_1115 = arith.addf %add3A_1079, %get3A_1114 : vector<16xf32>
    %get3A_1116 = arith.constant 18 : i32
    %get3A_1117 = arith.index_cast %get3A_1116 : i32 to index
    %get3A_1118 = arith.constant 32 : index
    %get3A_1119 = tpu.vector_load %arg6[%get3A_1117, %get3A_1118] {strides = array<i32>} : memref<424x96xf32, #tpu.memory_space<vmem>>, vector<1x16xf32>,
    %get3A_1120 = vector.shape_cast %get3A_1119 : vector<1x16xf32> to vector<16xf32>
    %add3A_1121 = arith.addf %add3A_1085, %get3A_1120 : vector<16xf32>
    %get3A_1122 = arith.constant 18 : i32
    %get3A_1123 = arith.index_cast %get3A_1122 : i32 to index
    %get3A_1124 = arith.constant 48 : index
    %get3A_1125 = tpu.vector_load %arg6[%get3A_1123, %get3A_1124] {strides = array<i32>} : memref<424x96xf32, #tpu.memory_space<vmem>>, vector<1x16xf32>,
    %get3A_1126 = vector.shape_cast %get3A_1125 : vector<1x16xf32> to vector<16xf32>
    %add3A_1127 = arith.addf %add3A_1091, %get3A_1126 : vector<16xf32>
    %get3A_1128 = arith.constant 18 : i32
    %get3A_1129 = arith.index_cast %get3A_1128 : i32 to index
    %get3A_1130 = arith.constant 64 : index
    %get3A_1131 = tpu.vector_load %arg6[%get3A_1129, %get3A_1130] {strides = array<i32>} : memref<424x96xf32, #tpu.memory_space<vmem>>, vector<1x16xf32>,
    %get3A_1132 = vector.shape_cast %get3A_1131 : vector<1x16xf32> to vector<16xf32>
    %add3A_1133 = arith.addf %add3A_1097, %get3A_1132 : vector<16xf32>
    %get3A_1134 = arith.constant 18 : i32
    %get3A_1135 = arith.index_cast %get3A_1134 : i32 to index
    %get3A_1136 = arith.constant 80 : index
    %get3A_1137 = tpu.vector_load %arg6[%get3A_1135, %get3A_1136] {strides = array<i32>} : memref<424x96xf32, #tpu.memory_space<vmem>>, vector<1x16xf32>,
    %get3A_1138 = vector.shape_cast %get3A_1137 : vector<1x16xf32> to vector<16xf32>
    %add3A_1139 = arith.addf %add3A_1103, %get3A_1138 : vector<16xf32>
    %get3A_1140 = arith.constant 19 : i32
    %get3A_1141 = arith.index_cast %get3A_1140 : i32 to index
    %get3A_1142 = arith.constant 0 : index
    %get3A_1143 = tpu.vector_load %arg6[%get3A_1141, %get3A_1142] {strides = array<i32>} : memref<424x96xf32, #tpu.memory_space<vmem>>, vector<1x16xf32>,
    %get3A_1144 = vector.shape_cast %get3A_1143 : vector<1x16xf32> to vector<16xf32>
    %add3A_1145 = arith.addf %add3A_1109, %get3A_1144 : vector<16xf32>
    %get3A_1146 = arith.constant 19 : i32
    %get3A_1147 = arith.index_cast %get3A_1146 : i32 to index
    %get3A_1148 = arith.constant 16 : index
    %get3A_1149 = tpu.vector_load %arg6[%get3A_1147, %get3A_1148] {strides = array<i32>} : memref<424x96xf32, #tpu.memory_space<vmem>>, vector<1x16xf32>,
    %get3A_1150 = vector.shape_cast %get3A_1149 : vector<1x16xf32> to vector<16xf32>
    %add3A_1151 = arith.addf %add3A_1115, %get3A_1150 : vector<16xf32>
    %get3A_1152 = arith.constant 19 : i32
    %get3A_1153 = arith.index_cast %get3A_1152 : i32 to index
    %get3A_1154 = arith.constant 32 : index
    %get3A_1155 = tpu.vector_load %arg6[%get3A_1153, %get3A_1154] {strides = array<i32>} : memref<424x96xf32, #tpu.memory_space<vmem>>, vector<1x16xf32>,
    %get3A_1156 = vector.shape_cast %get3A_1155 : vector<1x16xf32> to vector<16xf32>
    %add3A_1157 = arith.addf %add3A_1121, %get3A_1156 : vector<16xf32>
    %get3A_1158 = arith.constant 19 : i32
    %get3A_1159 = arith.index_cast %get3A_1158 : i32 to index
    %get3A_1160 = arith.constant 48 : index
    %get3A_1161 = tpu.vector_load %arg6[%get3A_1159, %get3A_1160] {strides = array<i32>} : memref<424x96xf32, #tpu.memory_space<vmem>>, vector<1x16xf32>,
    %get3A_1162 = vector.shape_cast %get3A_1161 : vector<1x16xf32> to vector<16xf32>
    %add3A_1163 = arith.addf %add3A_1127, %get3A_1162 : vector<16xf32>
    %get3A_1164 = arith.constant 19 : i32
    %get3A_1165 = arith.index_cast %get3A_1164 : i32 to index
    %get3A_1166 = arith.constant 64 : index
    %get3A_1167 = tpu.vector_load %arg6[%get3A_1165, %get3A_1166] {strides = array<i32>} : memref<424x96xf32, #tpu.memory_space<vmem>>, vector<1x16xf32>,
    %get3A_1168 = vector.shape_cast %get3A_1167 : vector<1x16xf32> to vector<16xf32>
    %add3A_1169 = arith.addf %add3A_1133, %get3A_1168 : vector<16xf32>
    %get3A_1170 = arith.constant 19 : i32
    %get3A_1171 = arith.index_cast %get3A_1170 : i32 to index
    %get3A_1172 = arith.constant 80 : index
    %get3A_1173 = tpu.vector_load %arg6[%get3A_1171, %get3A_1172] {strides = array<i32>} : memref<424x96xf32, #tpu.memory_space<vmem>>, vector<1x16xf32>,
    %get3A_1174 = vector.shape_cast %get3A_1173 : vector<1x16xf32> to vector<16xf32>
    %add3A_1175 = arith.addf %add3A_1139, %get3A_1174 : vector<16xf32>
    %get3A_1176 = arith.constant 20 : i32
    %get3A_1177 = arith.index_cast %get3A_1176 : i32 to index
    %get3A_1178 = arith.constant 0 : index
    %get3A_1179 = tpu.vector_load %arg6[%get3A_1177, %get3A_1178] {strides = array<i32>} : memref<424x96xf32, #tpu.memory_space<vmem>>, vector<1x16xf32>,
    %get3A_1180 = vector.shape_cast %get3A_1179 : vector<1x16xf32> to vector<16xf32>
    %add3A_1181 = arith.addf %add3A_1145, %get3A_1180 : vector<16xf32>
    %get3A_1182 = arith.constant 20 : i32
    %get3A_1183 = arith.index_cast %get3A_1182 : i32 to index
    %get3A_1184 = arith.constant 16 : index
    %get3A_1185 = tpu.vector_load %arg6[%get3A_1183, %get3A_1184] {strides = array<i32>} : memref<424x96xf32, #tpu.memory_space<vmem>>, vector<1x16xf32>,
    %get3A_1186 = vector.shape_cast %get3A_1185 : vector<1x16xf32> to vector<16xf32>
    %add3A_1187 = arith.addf %add3A_1151, %get3A_1186 : vector<16xf32>
    %get3A_1188 = arith.constant 20 : i32
    %get3A_1189 = arith.index_cast %get3A_1188 : i32 to index
    %get3A_1190 = arith.constant 32 : index
    %get3A_1191 = tpu.vector_load %arg6[%get3A_1189, %get3A_1190] {strides = array<i32>} : memref<424x96xf32, #tpu.memory_space<vmem>>, vector<1x16xf32>,
    %get3A_1192 = vector.shape_cast %get3A_1191 : vector<1x16xf32> to vector<16xf32>
    %add3A_1193 = arith.addf %add3A_1157, %get3A_1192 : vector<16xf32>
    %get3A_1194 = arith.constant 20 : i32
    %get3A_1195 = arith.index_cast %get3A_1194 : i32 to index
    %get3A_1196 = arith.constant 48 : index
    %get3A_1197 = tpu.vector_load %arg6[%get3A_1195, %get3A_1196] {strides = array<i32>} : memref<424x96xf32, #tpu.memory_space<vmem>>, vector<1x16xf32>,
    %get3A_1198 = vector.shape_cast %get3A_1197 : vector<1x16xf32> to vector<16xf32>
    %add3A_1199 = arith.addf %add3A_1163, %get3A_1198 : vector<16xf32>
    %get3A_1200 = arith.constant 20 : i32
    %get3A_1201 = arith.index_cast %get3A_1200 : i32 to index
    %get3A_1202 = arith.constant 64 : index
    %get3A_1203 = tpu.vector_load %arg6[%get3A_1201, %get3A_1202] {strides = array<i32>} : memref<424x96xf32, #tpu.memory_space<vmem>>, vector<1x16xf32>,
    %get3A_1204 = vector.shape_cast %get3A_1203 : vector<1x16xf32> to vector<16xf32>
    %add3A_1205 = arith.addf %add3A_1169, %get3A_1204 : vector<16xf32>
    %get3A_1206 = arith.constant 20 : i32
    %get3A_1207 = arith.index_cast %get3A_1206 : i32 to index
    %get3A_1208 = arith.constant 80 : index
    %get3A_1209 = tpu.vector_load %arg6[%get3A_1207, %get3A_1208] {strides = array<i32>} : memref<424x96xf32, #tpu.memory_space<vmem>>, vector<1x16xf32>,
    %get3A_1210 = vector.shape_cast %get3A_1209 : vector<1x16xf32> to vector<16xf32>
    %add3A_1211 = arith.addf %add3A_1175, %get3A_1210 : vector<16xf32>
    %get3A_1212 = arith.constant 21 : i32
    %get3A_1213 = arith.index_cast %get3A_1212 : i32 to index
    %get3A_1214 = arith.constant 0 : index
    %get3A_1215 = tpu.vector_load %arg6[%get3A_1213, %get3A_1214] {strides = array<i32>} : memref<424x96xf32, #tpu.memory_space<vmem>>, vector<1x16xf32>,
    %get3A_1216 = vector.shape_cast %get3A_1215 : vector<1x16xf32> to vector<16xf32>
    %add3A_1217 = arith.addf %add3A_1181, %get3A_1216 : vector<16xf32>
    %get3A_1218 = arith.constant 21 : i32
    %get3A_1219 = arith.index_cast %get3A_1218 : i32 to index
    %get3A_1220 = arith.constant 16 : index
    %get3A_1221 = tpu.vector_load %arg6[%get3A_1219, %get3A_1220] {strides = array<i32>} : memref<424x96xf32, #tpu.memory_space<vmem>>, vector<1x16xf32>,
    %get3A_1222 = vector.shape_cast %get3A_1221 : vector<1x16xf32> to vector<16xf32>
    %add3A_1223 = arith.addf %add3A_1187, %get3A_1222 : vector<16xf32>
    %get3A_1224 = arith.constant 21 : i32
    %get3A_1225 = arith.index_cast %get3A_1224 : i32 to index
    %get3A_1226 = arith.constant 32 : index
    %get3A_1227 = tpu.vector_load %arg6[%get3A_1225, %get3A_1226] {strides = array<i32>} : memref<424x96xf32, #tpu.memory_space<vmem>>, vector<1x16xf32>,
    %get3A_1228 = vector.shape_cast %get3A_1227 : vector<1x16xf32> to vector<16xf32>
    %add3A_1229 = arith.addf %add3A_1193, %get3A_1228 : vector<16xf32>
    %get3A_1230 = arith.constant 21 : i32
    %get3A_1231 = arith.index_cast %get3A_1230 : i32 to index
    %get3A_1232 = arith.constant 48 : index
    %get3A_1233 = tpu.vector_load %arg6[%get3A_1231, %get3A_1232] {strides = array<i32>} : memref<424x96xf32, #tpu.memory_space<vmem>>, vector<1x16xf32>,
    %get3A_1234 = vector.shape_cast %get3A_1233 : vector<1x16xf32> to vector<16xf32>
    %add3A_1235 = arith.addf %add3A_1199, %get3A_1234 : vector<16xf32>
    %get3A_1236 = arith.constant 21 : i32
    %get3A_1237 = arith.index_cast %get3A_1236 : i32 to index
    %get3A_1238 = arith.constant 64 : index
    %get3A_1239 = tpu.vector_load %arg6[%get3A_1237, %get3A_1238] {strides = array<i32>} : memref<424x96xf32, #tpu.memory_space<vmem>>, vector<1x16xf32>,
    %get3A_1240 = vector.shape_cast %get3A_1239 : vector<1x16xf32> to vector<16xf32>
    %add3A_1241 = arith.addf %add3A_1205, %get3A_1240 : vector<16xf32>
    %get3A_1242 = arith.constant 21 : i32
    %get3A_1243 = arith.index_cast %get3A_1242 : i32 to index
    %get3A_1244 = arith.constant 80 : index
    %get3A_1245 = tpu.vector_load %arg6[%get3A_1243, %get3A_1244] {strides = array<i32>} : memref<424x96xf32, #tpu.memory_space<vmem>>, vector<1x16xf32>,
    %get3A_1246 = vector.shape_cast %get3A_1245 : vector<1x16xf32> to vector<16xf32>
    %add3A_1247 = arith.addf %add3A_1211, %get3A_1246 : vector<16xf32>
    %get3A_1248 = arith.constant 22 : i32
    %get3A_1249 = arith.index_cast %get3A_1248 : i32 to index
    %get3A_1250 = arith.constant 0 : index
    %get3A_1251 = tpu.vector_load %arg6[%get3A_1249, %get3A_1250] {strides = array<i32>} : memref<424x96xf32, #tpu.memory_space<vmem>>, vector<1x16xf32>,
    %get3A_1252 = vector.shape_cast %get3A_1251 : vector<1x16xf32> to vector<16xf32>
    %add3A_1253 = arith.addf %add3A_1217, %get3A_1252 : vector<16xf32>
    %get3A_1254 = arith.constant 22 : i32
    %get3A_1255 = arith.index_cast %get3A_1254 : i32 to index
    %get3A_1256 = arith.constant 16 : index
    %get3A_1257 = tpu.vector_load %arg6[%get3A_1255, %get3A_1256] {strides = array<i32>} : memref<424x96xf32, #tpu.memory_space<vmem>>, vector<1x16xf32>,
    %get3A_1258 = vector.shape_cast %get3A_1257 : vector<1x16xf32> to vector<16xf32>
    %add3A_1259 = arith.addf %add3A_1223, %get3A_1258 : vector<16xf32>
    %get3A_1260 = arith.constant 22 : i32
    %get3A_1261 = arith.index_cast %get3A_1260 : i32 to index
    %get3A_1262 = arith.constant 32 : index
    %get3A_1263 = tpu.vector_load %arg6[%get3A_1261, %get3A_1262] {strides = array<i32>} : memref<424x96xf32, #tpu.memory_space<vmem>>, vector<1x16xf32>,
    %get3A_1264 = vector.shape_cast %get3A_1263 : vector<1x16xf32> to vector<16xf32>
    %add3A_1265 = arith.addf %add3A_1229, %get3A_1264 : vector<16xf32>
    %get3A_1266 = arith.constant 22 : i32
    %get3A_1267 = arith.index_cast %get3A_1266 : i32 to index
    %get3A_1268 = arith.constant 48 : index
    %get3A_1269 = tpu.vector_load %arg6[%get3A_1267, %get3A_1268] {strides = array<i32>} : memref<424x96xf32, #tpu.memory_space<vmem>>, vector<1x16xf32>,
    %get3A_1270 = vector.shape_cast %get3A_1269 : vector<1x16xf32> to vector<16xf32>
    %add3A_1271 = arith.addf %add3A_1235, %get3A_1270 : vector<16xf32>
    %get3A_1272 = arith.constant 22 : i32
    %get3A_1273 = arith.index_cast %get3A_1272 : i32 to index
    %get3A_1274 = arith.constant 64 : index
    %get3A_1275 = tpu.vector_load %arg6[%get3A_1273, %get3A_1274] {strides = array<i32>} : memref<424x96xf32, #tpu.memory_space<vmem>>, vector<1x16xf32>,
    %get3A_1276 = vector.shape_cast %get3A_1275 : vector<1x16xf32> to vector<16xf32>
    %add3A_1277 = arith.addf %add3A_1241, %get3A_1276 : vector<16xf32>
    %get3A_1278 = arith.constant 22 : i32
    %get3A_1279 = arith.index_cast %get3A_1278 : i32 to index
    %get3A_1280 = arith.constant 80 : index
    %get3A_1281 = tpu.vector_load %arg6[%get3A_1279, %get3A_1280] {strides = array<i32>} : memref<424x96xf32, #tpu.memory_space<vmem>>, vector<1x16xf32>,
    %get3A_1282 = vector.shape_cast %get3A_1281 : vector<1x16xf32> to vector<16xf32>
    %add3A_1283 = arith.addf %add3A_1247, %get3A_1282 : vector<16xf32>
    %get3A_1284 = arith.constant 23 : i32
    %get3A_1285 = arith.index_cast %get3A_1284 : i32 to index
    %get3A_1286 = arith.constant 0 : index
    %get3A_1287 = tpu.vector_load %arg6[%get3A_1285, %get3A_1286] {strides = array<i32>} : memref<424x96xf32, #tpu.memory_space<vmem>>, vector<1x16xf32>,
    %get3A_1288 = vector.shape_cast %get3A_1287 : vector<1x16xf32> to vector<16xf32>
    %add3A_1289 = arith.addf %add3A_1253, %get3A_1288 : vector<16xf32>
    %get3A_1290 = arith.constant 23 : i32
    %get3A_1291 = arith.index_cast %get3A_1290 : i32 to index
    %get3A_1292 = arith.constant 16 : index
    %get3A_1293 = tpu.vector_load %arg6[%get3A_1291, %get3A_1292] {strides = array<i32>} : memref<424x96xf32, #tpu.memory_space<vmem>>, vector<1x16xf32>,
    %get3A_1294 = vector.shape_cast %get3A_1293 : vector<1x16xf32> to vector<16xf32>
    %add3A_1295 = arith.addf %add3A_1259, %get3A_1294 : vector<16xf32>
    %get3A_1296 = arith.constant 23 : i32
    %get3A_1297 = arith.index_cast %get3A_1296 : i32 to index
    %get3A_1298 = arith.constant 32 : index
    %get3A_1299 = tpu.vector_load %arg6[%get3A_1297, %get3A_1298] {strides = array<i32>} : memref<424x96xf32, #tpu.memory_space<vmem>>, vector<1x16xf32>,
    %get3A_1300 = vector.shape_cast %get3A_1299 : vector<1x16xf32> to vector<16xf32>
    %add3A_1301 = arith.addf %add3A_1265, %get3A_1300 : vector<16xf32>
    %get3A_1302 = arith.constant 23 : i32
    %get3A_1303 = arith.index_cast %get3A_1302 : i32 to index
    %get3A_1304 = arith.constant 48 : index
    %get3A_1305 = tpu.vector_load %arg6[%get3A_1303, %get3A_1304] {strides = array<i32>} : memref<424x96xf32, #tpu.memory_space<vmem>>, vector<1x16xf32>,
    %get3A_1306 = vector.shape_cast %get3A_1305 : vector<1x16xf32> to vector<16xf32>
    %add3A_1307 = arith.addf %add3A_1271, %get3A_1306 : vector<16xf32>
    %get3A_1308 = arith.constant 23 : i32
    %get3A_1309 = arith.index_cast %get3A_1308 : i32 to index
    %get3A_1310 = arith.constant 64 : index
    %get3A_1311 = tpu.vector_load %arg6[%get3A_1309, %get3A_1310] {strides = array<i32>} : memref<424x96xf32, #tpu.memory_space<vmem>>, vector<1x16xf32>,
    %get3A_1312 = vector.shape_cast %get3A_1311 : vector<1x16xf32> to vector<16xf32>
    %add3A_1313 = arith.addf %add3A_1277, %get3A_1312 : vector<16xf32>
    %get3A_1314 = arith.constant 23 : i32
    %get3A_1315 = arith.index_cast %get3A_1314 : i32 to index
    %get3A_1316 = arith.constant 80 : index
    %get3A_1317 = tpu.vector_load %arg6[%get3A_1315, %get3A_1316] {strides = array<i32>} : memref<424x96xf32, #tpu.memory_space<vmem>>, vector<1x16xf32>,
    %get3A_1318 = vector.shape_cast %get3A_1317 : vector<1x16xf32> to vector<16xf32>
    %add3A_1319 = arith.addf %add3A_1283, %get3A_1318 : vector<16xf32>
    %get3A_1320 = arith.constant 24 : i32
    %get3A_1321 = arith.index_cast %get3A_1320 : i32 to index
    %get3A_1322 = arith.constant 0 : index
    %get3A_1323 = tpu.vector_load %arg6[%get3A_1321, %get3A_1322] {strides = array<i32>} : memref<424x96xf32, #tpu.memory_space<vmem>>, vector<1x16xf32>,
    %get3A_1324 = vector.shape_cast %get3A_1323 : vector<1x16xf32> to vector<16xf32>
    %add3A_1325 = arith.addf %add3A_1289, %get3A_1324 : vector<16xf32>
    %get3A_1326 = arith.constant 24 : i32
    %get3A_1327 = arith.index_cast %get3A_1326 : i32 to index
    %get3A_1328 = arith.constant 16 : index
    %get3A_1329 = tpu.vector_load %arg6[%get3A_1327, %get3A_1328] {strides = array<i32>} : memref<424x96xf32, #tpu.memory_space<vmem>>, vector<1x16xf32>,
    %get3A_1330 = vector.shape_cast %get3A_1329 : vector<1x16xf32> to vector<16xf32>
    %add3A_1331 = arith.addf %add3A_1295, %get3A_1330 : vector<16xf32>
    %get3A_1332 = arith.constant 24 : i32
    %get3A_1333 = arith.index_cast %get3A_1332 : i32 to index
    %get3A_1334 = arith.constant 32 : index
    %get3A_1335 = tpu.vector_load %arg6[%get3A_1333, %get3A_1334] {strides = array<i32>} : memref<424x96xf32, #tpu.memory_space<vmem>>, vector<1x16xf32>,
    %get3A_1336 = vector.shape_cast %get3A_1335 : vector<1x16xf32> to vector<16xf32>
    %add3A_1337 = arith.addf %add3A_1301, %get3A_1336 : vector<16xf32>
    %get3A_1338 = arith.constant 24 : i32
    %get3A_1339 = arith.index_cast %get3A_1338 : i32 to index
    %get3A_1340 = arith.constant 48 : index
    %get3A_1341 = tpu.vector_load %arg6[%get3A_1339, %get3A_1340] {strides = array<i32>} : memref<424x96xf32, #tpu.memory_space<vmem>>, vector<1x16xf32>,
    %get3A_1342 = vector.shape_cast %get3A_1341 : vector<1x16xf32> to vector<16xf32>
    %add3A_1343 = arith.addf %add3A_1307, %get3A_1342 : vector<16xf32>
    %get3A_1344 = arith.constant 24 : i32
    %get3A_1345 = arith.index_cast %get3A_1344 : i32 to index
    %get3A_1346 = arith.constant 64 : index
    %get3A_1347 = tpu.vector_load %arg6[%get3A_1345, %get3A_1346] {strides = array<i32>} : memref<424x96xf32, #tpu.memory_space<vmem>>, vector<1x16xf32>,
    %get3A_1348 = vector.shape_cast %get3A_1347 : vector<1x16xf32> to vector<16xf32>
    %add3A_1349 = arith.addf %add3A_1313, %get3A_1348 : vector<16xf32>
    %get3A_1350 = arith.constant 24 : i32
    %get3A_1351 = arith.index_cast %get3A_1350 : i32 to index
    %get3A_1352 = arith.constant 80 : index
    %get3A_1353 = tpu.vector_load %arg6[%get3A_1351, %get3A_1352] {strides = array<i32>} : memref<424x96xf32, #tpu.memory_space<vmem>>, vector<1x16xf32>,
    %get3A_1354 = vector.shape_cast %get3A_1353 : vector<1x16xf32> to vector<16xf32>
    %add3A_1355 = arith.addf %add3A_1319, %get3A_1354 : vector<16xf32>
    %get3A_1356 = arith.constant 25 : i32
    %get3A_1357 = arith.index_cast %get3A_1356 : i32 to index
    %get3A_1358 = arith.constant 0 : index
    %get3A_1359 = tpu.vector_load %arg6[%get3A_1357, %get3A_1358] {strides = array<i32>} : memref<424x96xf32, #tpu.memory_space<vmem>>, vector<1x16xf32>,
    %get3A_1360 = vector.shape_cast %get3A_1359 : vector<1x16xf32> to vector<16xf32>
    %add3A_1361 = arith.addf %add3A_1325, %get3A_1360 : vector<16xf32>
    %get3A_1362 = arith.constant 25 : i32
    %get3A_1363 = arith.index_cast %get3A_1362 : i32 to index
    %get3A_1364 = arith.constant 16 : index
    %get3A_1365 = tpu.vector_load %arg6[%get3A_1363, %get3A_1364] {strides = array<i32>} : memref<424x96xf32, #tpu.memory_space<vmem>>, vector<1x16xf32>,
    %get3A_1366 = vector.shape_cast %get3A_1365 : vector<1x16xf32> to vector<16xf32>
    %add3A_1367 = arith.addf %add3A_1331, %get3A_1366 : vector<16xf32>
    %get3A_1368 = arith.constant 25 : i32
    %get3A_1369 = arith.index_cast %get3A_1368 : i32 to index
    %get3A_1370 = arith.constant 32 : index
    %get3A_1371 = tpu.vector_load %arg6[%get3A_1369, %get3A_1370] {strides = array<i32>} : memref<424x96xf32, #tpu.memory_space<vmem>>, vector<1x16xf32>,
    %get3A_1372 = vector.shape_cast %get3A_1371 : vector<1x16xf32> to vector<16xf32>
    %add3A_1373 = arith.addf %add3A_1337, %get3A_1372 : vector<16xf32>
    %get3A_1374 = arith.constant 25 : i32
    %get3A_1375 = arith.index_cast %get3A_1374 : i32 to index
    %get3A_1376 = arith.constant 48 : index
    %get3A_1377 = tpu.vector_load %arg6[%get3A_1375, %get3A_1376] {strides = array<i32>} : memref<424x96xf32, #tpu.memory_space<vmem>>, vector<1x16xf32>,
    %get3A_1378 = vector.shape_cast %get3A_1377 : vector<1x16xf32> to vector<16xf32>
    %add3A_1379 = arith.addf %add3A_1343, %get3A_1378 : vector<16xf32>
    %get3A_1380 = arith.constant 25 : i32
    %get3A_1381 = arith.index_cast %get3A_1380 : i32 to index
    %get3A_1382 = arith.constant 64 : index
    %get3A_1383 = tpu.vector_load %arg6[%get3A_1381, %get3A_1382] {strides = array<i32>} : memref<424x96xf32, #tpu.memory_space<vmem>>, vector<1x16xf32>,
    %get3A_1384 = vector.shape_cast %get3A_1383 : vector<1x16xf32> to vector<16xf32>
    %add3A_1385 = arith.addf %add3A_1349, %get3A_1384 : vector<16xf32>
    %get3A_1386 = arith.constant 25 : i32
    %get3A_1387 = arith.index_cast %get3A_1386 : i32 to index
    %get3A_1388 = arith.constant 80 : index
    %get3A_1389 = tpu.vector_load %arg6[%get3A_1387, %get3A_1388] {strides = array<i32>} : memref<424x96xf32, #tpu.memory_space<vmem>>, vector<1x16xf32>,
    %get3A_1390 = vector.shape_cast %get3A_1389 : vector<1x16xf32> to vector<16xf32>
    %add3A_1391 = arith.addf %add3A_1355, %get3A_1390 : vector<16xf32>
    %scan3A_1392 = arith.constant 0 : i32
    %scan3A_1393 = arith.constant 392 : i32
    %scan3A_1394 = arith.addi %scan3A_1392, %scan3A_1393 : i32
    %scan3A_1395 = arith.constant 1 : i32
    %scan3A_1396:6 = scf.for %scan3A_1399 = %scan3A_1392 to %scan3A_1394 step %scan3A_1395 iter_args(%scan3A_1400 = %add3A_1361, %scan3A_1401 = %add3A_1367, %scan3A_1402 = %add3A_1373, %scan3A_1403 = %add3A_1379, %scan3A_1404 = %add3A_1385, %scan3A_1405 = %add3A_1391) -> (vector<16xf32>, vector<16xf32>, vector<16xf32>, vector<16xf32>, vector<16xf32>, vector<16xf32>)  : i32 {
      %mul3A_1406 = arith.constant 16 : i32
      %mul3A_1407 = arith.muli %scan3A_1399, %mul3A_1406 : i32
      %get3A_1408 = arith.index_cast %mul3A_1407 : i32 to index
      %get3A_1409 = tpu.vector_load %arg7[%get3A_1408] {strides = array<i32>} : memref<6272xf32, #tpu.memory_space<vmem>>, vector<16xf32>,
      %get3A_1410 = vector.shape_cast %get3A_1409 : vector<16xf32> to vector<16xf32>
      %mul3A_1411 = arith.mulf %scan3A_1400, %get3A_1410 : vector<16xf32>
      %add3A_1412 = arith.addf %mul3A_1411, %get3A_6 : vector<16xf32>
      %swap3A = arith.index_cast %scan3A_1399 : i32 to index
      %swap3A_1413 = arith.constant 0 : index
      %swap3A_1414 = tpu.vector_load %arg9[%swap3A, %swap3A_1413] {strides = array<i32>} : memref<392x96xf32, #tpu.memory_space<vmem>>, vector<1x16xf32>,
      %swap3A_1415 = vector.shape_cast %swap3A_1414 : vector<1x16xf32> to vector<16xf32>
      %swap3A_1416 = vector.shape_cast %add3A_1412 : vector<16xf32> to vector<1x16xf32>
      tpu.vector_store %arg9[%swap3A, %swap3A_1413], %swap3A_1416 {strides = array<i32>} : memref<392x96xf32, #tpu.memory_space<vmem>>, vector<1x16xf32>,
      %mul3A_1417 = arith.mulf %scan3A_1401, %get3A_1410 : vector<16xf32>
      %add3A_1418 = arith.addf %mul3A_1417, %get3A_9 : vector<16xf32>
      %swap3A_1419 = arith.index_cast %scan3A_1399 : i32 to index
      %swap3A_1420 = arith.constant 16 : index
      %swap3A_1421 = tpu.vector_load %arg9[%swap3A_1419, %swap3A_1420] {strides = array<i32>} : memref<392x96xf32, #tpu.memory_space<vmem>>, vector<1x16xf32>,
      %swap3A_1422 = vector.shape_cast %swap3A_1421 : vector<1x16xf32> to vector<16xf32>
      %swap3A_1423 = vector.shape_cast %add3A_1418 : vector<16xf32> to vector<1x16xf32>
      tpu.vector_store %arg9[%swap3A_1419, %swap3A_1420], %swap3A_1423 {strides = array<i32>} : memref<392x96xf32, #tpu.memory_space<vmem>>, vector<1x16xf32>,
      %mul3A_1424 = arith.mulf %scan3A_1402, %get3A_1410 : vector<16xf32>
      %add3A_1425 = arith.addf %mul3A_1424, %get3A_12 : vector<16xf32>
      %swap3A_1426 = arith.index_cast %scan3A_1399 : i32 to index
      %swap3A_1427 = arith.constant 32 : index
      %swap3A_1428 = tpu.vector_load %arg9[%swap3A_1426, %swap3A_1427] {strides = array<i32>} : memref<392x96xf32, #tpu.memory_space<vmem>>, vector<1x16xf32>,
      %swap3A_1429 = vector.shape_cast %swap3A_1428 : vector<1x16xf32> to vector<16xf32>
      %swap3A_1430 = vector.shape_cast %add3A_1425 : vector<16xf32> to vector<1x16xf32>
      tpu.vector_store %arg9[%swap3A_1426, %swap3A_1427], %swap3A_1430 {strides = array<i32>} : memref<392x96xf32, #tpu.memory_space<vmem>>, vector<1x16xf32>,
      %mul3A_1431 = arith.mulf %scan3A_1403, %get3A_1410 : vector<16xf32>
      %add3A_1432 = arith.addf %mul3A_1431, %get3A_15 : vector<16xf32>
      %swap3A_1433 = arith.index_cast %scan3A_1399 : i32 to index
      %swap3A_1434 = arith.constant 48 : index
      %swap3A_1435 = tpu.vector_load %arg9[%swap3A_1433, %swap3A_1434] {strides = array<i32>} : memref<392x96xf32, #tpu.memory_space<vmem>>, vector<1x16xf32>,
      %swap3A_1436 = vector.shape_cast %swap3A_1435 : vector<1x16xf32> to vector<16xf32>
      %swap3A_1437 = vector.shape_cast %add3A_1432 : vector<16xf32> to vector<1x16xf32>
      tpu.vector_store %arg9[%swap3A_1433, %swap3A_1434], %swap3A_1437 {strides = array<i32>} : memref<392x96xf32, #tpu.memory_space<vmem>>, vector<1x16xf32>,
      %mul3A_1438 = arith.mulf %scan3A_1404, %get3A_1410 : vector<16xf32>
      %add3A_1439 = arith.addf %mul3A_1438, %get3A_18 : vector<16xf32>
      %swap3A_1440 = arith.index_cast %scan3A_1399 : i32 to index
      %swap3A_1441 = arith.constant 64 : index
      %swap3A_1442 = tpu.vector_load %arg9[%swap3A_1440, %swap3A_1441] {strides = array<i32>} : memref<392x96xf32, #tpu.memory_space<vmem>>, vector<1x16xf32>,
      %swap3A_1443 = vector.shape_cast %swap3A_1442 : vector<1x16xf32> to vector<16xf32>
      %swap3A_1444 = vector.shape_cast %add3A_1439 : vector<16xf32> to vector<1x16xf32>
      tpu.vector_store %arg9[%swap3A_1440, %swap3A_1441], %swap3A_1444 {strides = array<i32>} : memref<392x96xf32, #tpu.memory_space<vmem>>, vector<1x16xf32>,
      %mul3A_1445 = arith.mulf %scan3A_1405, %get3A_1410 : vector<16xf32>
      %add3A_1446 = arith.addf %mul3A_1445, %get3A_21 : vector<16xf32>
      %swap3A_1447 = arith.index_cast %scan3A_1399 : i32 to index
      %swap3A_1448 = arith.constant 80 : index
      %swap3A_1449 = tpu.vector_load %arg9[%swap3A_1447, %swap3A_1448] {strides = array<i32>} : memref<392x96xf32, #tpu.memory_space<vmem>>, vector<1x16xf32>,
      %swap3A_1450 = vector.shape_cast %swap3A_1449 : vector<1x16xf32> to vector<16xf32>
      %swap3A_1451 = vector.shape_cast %add3A_1446 : vector<16xf32> to vector<1x16xf32>
      tpu.vector_store %arg9[%swap3A_1447, %swap3A_1448], %swap3A_1451 {strides = array<i32>} : memref<392x96xf32, #tpu.memory_space<vmem>>, vector<1x16xf32>,
      %add3A_1452 = arith.constant 7 : i32
      %add3A_1453 = arith.addi %scan3A_1399, %add3A_1452 : i32
      %add3A_1454 = arith.constant 19 : i32
      %add3A_1455 = arith.addi %add3A_1453, %add3A_1454 : i32
      %get3A_1456 = arith.index_cast %add3A_1455 : i32 to index
      %get3A_1457 = arith.constant 0 : index
      %get3A_1458 = tpu.vector_load %arg6[%get3A_1456, %get3A_1457] {strides = array<i32>} : memref<424x96xf32, #tpu.memory_space<vmem>>, vector<1x16xf32>,
      %get3A_1459 = vector.shape_cast %get3A_1458 : vector<1x16xf32> to vector<16xf32>
      %add3A_1460 = arith.addf %scan3A_1400, %get3A_1459 : vector<16xf32>
      %add3A_1461 = arith.constant 7 : i32
      %add3A_1462 = arith.addi %scan3A_1399, %add3A_1461 : i32
      %get3A_1463 = arith.index_cast %add3A_1462 : i32 to index
      %get3A_1464 = arith.constant 0 : index
      %get3A_1465 = tpu.vector_load %arg6[%get3A_1463, %get3A_1464] {strides = array<i32>} : memref<424x96xf32, #tpu.memory_space<vmem>>, vector<1x16xf32>,
      %get3A_1466 = vector.shape_cast %get3A_1465 : vector<1x16xf32> to vector<16xf32>
      %sub3A_1467 = arith.subf %add3A_1460, %get3A_1466 : vector<16xf32>
      %add3A_1468 = arith.constant 7 : i32
      %add3A_1469 = arith.addi %scan3A_1399, %add3A_1468 : i32
      %add3A_1470 = arith.constant 19 : i32
      %add3A_1471 = arith.addi %add3A_1469, %add3A_1470 : i32
      %get3A_1472 = arith.index_cast %add3A_1471 : i32 to index
      %get3A_1473 = arith.constant 16 : index
      %get3A_1474 = tpu.vector_load %arg6[%get3A_1472, %get3A_1473] {strides = array<i32>} : memref<424x96xf32, #tpu.memory_space<vmem>>, vector<1x16xf32>,
      %get3A_1475 = vector.shape_cast %get3A_1474 : vector<1x16xf32> to vector<16xf32>
      %add3A_1476 = arith.addf %scan3A_1401, %get3A_1475 : vector<16xf32>
      %add3A_1477 = arith.constant 7 : i32
      %add3A_1478 = arith.addi %scan3A_1399, %add3A_1477 : i32
      %get3A_1479 = arith.index_cast %add3A_1478 : i32 to index
      %get3A_1480 = arith.constant 16 : index
      %get3A_1481 = tpu.vector_load %arg6[%get3A_1479, %get3A_1480] {strides = array<i32>} : memref<424x96xf32, #tpu.memory_space<vmem>>, vector<1x16xf32>,
      %get3A_1482 = vector.shape_cast %get3A_1481 : vector<1x16xf32> to vector<16xf32>
      %sub3A_1483 = arith.subf %add3A_1476, %get3A_1482 : vector<16xf32>
      %add3A_1484 = arith.constant 7 : i32
      %add3A_1485 = arith.addi %scan3A_1399, %add3A_1484 : i32
      %add3A_1486 = arith.constant 19 : i32
      %add3A_1487 = arith.addi %add3A_1485, %add3A_1486 : i32
      %get3A_1488 = arith.index_cast %add3A_1487 : i32 to index
      %get3A_1489 = arith.constant 32 : index
      %get3A_1490 = tpu.vector_load %arg6[%get3A_1488, %get3A_1489] {strides = array<i32>} : memref<424x96xf32, #tpu.memory_space<vmem>>, vector<1x16xf32>,
      %get3A_1491 = vector.shape_cast %get3A_1490 : vector<1x16xf32> to vector<16xf32>
      %add3A_1492 = arith.addf %scan3A_1402, %get3A_1491 : vector<16xf32>
      %add3A_1493 = arith.constant 7 : i32
      %add3A_1494 = arith.addi %scan3A_1399, %add3A_1493 : i32
      %get3A_1495 = arith.index_cast %add3A_1494 : i32 to index
      %get3A_1496 = arith.constant 32 : index
      %get3A_1497 = tpu.vector_load %arg6[%get3A_1495, %get3A_1496] {strides = array<i32>} : memref<424x96xf32, #tpu.memory_space<vmem>>, vector<1x16xf32>,
      %get3A_1498 = vector.shape_cast %get3A_1497 : vector<1x16xf32> to vector<16xf32>
      %sub3A_1499 = arith.subf %add3A_1492, %get3A_1498 : vector<16xf32>
      %add3A_1500 = arith.constant 7 : i32
      %add3A_1501 = arith.addi %scan3A_1399, %add3A_1500 : i32
      %add3A_1502 = arith.constant 19 : i32
      %add3A_1503 = arith.addi %add3A_1501, %add3A_1502 : i32
      %get3A_1504 = arith.index_cast %add3A_1503 : i32 to index
      %get3A_1505 = arith.constant 48 : index
      %get3A_1506 = tpu.vector_load %arg6[%get3A_1504, %get3A_1505] {strides = array<i32>} : memref<424x96xf32, #tpu.memory_space<vmem>>, vector<1x16xf32>,
      %get3A_1507 = vector.shape_cast %get3A_1506 : vector<1x16xf32> to vector<16xf32>
      %add3A_1508 = arith.addf %scan3A_1403, %get3A_1507 : vector<16xf32>
      %add3A_1509 = arith.constant 7 : i32
      %add3A_1510 = arith.addi %scan3A_1399, %add3A_1509 : i32
      %get3A_1511 = arith.index_cast %add3A_1510 : i32 to index
      %get3A_1512 = arith.constant 48 : index
      %get3A_1513 = tpu.vector_load %arg6[%get3A_1511, %get3A_1512] {strides = array<i32>} : memref<424x96xf32, #tpu.memory_space<vmem>>, vector<1x16xf32>,
      %get3A_1514 = vector.shape_cast %get3A_1513 : vector<1x16xf32> to vector<16xf32>
      %sub3A_1515 = arith.subf %add3A_1508, %get3A_1514 : vector<16xf32>
      %add3A_1516 = arith.constant 7 : i32
      %add3A_1517 = arith.addi %scan3A_1399, %add3A_1516 : i32
      %add3A_1518 = arith.constant 19 : i32
      %add3A_1519 = arith.addi %add3A_1517, %add3A_1518 : i32
      %get3A_1520 = arith.index_cast %add3A_1519 : i32 to index
      %get3A_1521 = arith.constant 64 : index
      %get3A_1522 = tpu.vector_load %arg6[%get3A_1520, %get3A_1521] {strides = array<i32>} : memref<424x96xf32, #tpu.memory_space<vmem>>, vector<1x16xf32>,
      %get3A_1523 = vector.shape_cast %get3A_1522 : vector<1x16xf32> to vector<16xf32>
      %add3A_1524 = arith.addf %scan3A_1404, %get3A_1523 : vector<16xf32>
      %add3A_1525 = arith.constant 7 : i32
      %add3A_1526 = arith.addi %scan3A_1399, %add3A_1525 : i32
      %get3A_1527 = arith.index_cast %add3A_1526 : i32 to index
      %get3A_1528 = arith.constant 64 : index
      %get3A_1529 = tpu.vector_load %arg6[%get3A_1527, %get3A_1528] {strides = array<i32>} : memref<424x96xf32, #tpu.memory_space<vmem>>, vector<1x16xf32>,
      %get3A_1530 = vector.shape_cast %get3A_1529 : vector<1x16xf32> to vector<16xf32>
      %sub3A_1531 = arith.subf %add3A_1524, %get3A_1530 : vector<16xf32>
      %add3A_1532 = arith.constant 7 : i32
      %add3A_1533 = arith.addi %scan3A_1399, %add3A_1532 : i32
      %add3A_1534 = arith.constant 19 : i32
      %add3A_1535 = arith.addi %add3A_1533, %add3A_1534 : i32
      %get3A_1536 = arith.index_cast %add3A_1535 : i32 to index
      %get3A_1537 = arith.constant 80 : index
      %get3A_1538 = tpu.vector_load %arg6[%get3A_1536, %get3A_1537] {strides = array<i32>} : memref<424x96xf32, #tpu.memory_space<vmem>>, vector<1x16xf32>,
      %get3A_1539 = vector.shape_cast %get3A_1538 : vector<1x16xf32> to vector<16xf32>
      %add3A_1540 = arith.addf %scan3A_1405, %get3A_1539 : vector<16xf32>
      %add3A_1541 = arith.constant 7 : i32
      %add3A_1542 = arith.addi %scan3A_1399, %add3A_1541 : i32
      %get3A_1543 = arith.index_cast %add3A_1542 : i32 to index
      %get3A_1544 = arith.constant 80 : index
      %get3A_1545 = tpu.vector_load %arg6[%get3A_1543, %get3A_1544] {strides = array<i32>} : memref<424x96xf32, #tpu.memory_space<vmem>>, vector<1x16xf32>,
      %get3A_1546 = vector.shape_cast %get3A_1545 : vector<1x16xf32> to vector<16xf32>
      %sub3A_1547 = arith.subf %add3A_1540, %get3A_1546 : vector<16xf32>
      scf.yield %sub3A_1467, %sub3A_1483, %sub3A_1499, %sub3A_1515, %sub3A_1531, %sub3A_1547 : vector<16xf32>, vector<16xf32>, vector<16xf32>, vector<16xf32>, vector<16xf32>, vector<16xf32>
    }
    %scan3A_1397 = arith.constant 392 : i32
    %run_scoped3A_1398 = arith.constant 1 : i32
    "tpu.region"() ({
      %run_scoped3A_1399 = tpu.sem_alloc : memref<!tpu.dma_semaphore, #tpu.memory_space<semaphore_mem>>
      %dma_start3A = arith.constant 0 : i32
      %dma_start3A_1400 = tpu.memref_slice %arg5[%run_scoped3A_1398, %mul3A_2, %dma_start3A] : memref<2x12544x96xf32, #tpu.memory_space<hbm>> -> memref<1x392x96xf32, #tpu.memory_space<hbm>>
      %dma_start3A_1401 = tpu.memref_squeeze %dma_start3A_1400 : memref<1x392x96xf32, #tpu.memory_space<hbm>> -> memref<392x96xf32, #tpu.memory_space<hbm>>
      %dma_start3A_1402 = arith.constant 0 : i32
      %dma_start3A_1403 = tpu.memref_slice %arg5[%run_scoped3A_1398, %mul3A_2, %dma_start3A_1402] : memref<2x12544x96xf32, #tpu.memory_space<hbm>> -> memref<1x392x96xf32, #tpu.memory_space<hbm>>
      %dma_start3A_1404 = tpu.memref_squeeze %dma_start3A_1403 : memref<1x392x96xf32, #tpu.memory_space<hbm>> -> memref<392x96xf32, #tpu.memory_space<hbm>>
      tpu.enqueue_dma source(%arg9 : memref<392x96xf32, #tpu.memory_space<vmem>>) target(%dma_start3A_1404 : memref<392x96xf32, #tpu.memory_space<hbm>>) target_semaphore(%run_scoped3A_1399 : memref<!tpu.dma_semaphore, #tpu.memory_space<semaphore_mem>>)
      %dma_wait3A = arith.constant 0 : i32
      %dma_wait3A_1405 = tpu.memref_slice %arg5[%run_scoped3A_1398, %mul3A_2, %dma_wait3A] : memref<2x12544x96xf32, #tpu.memory_space<hbm>> -> memref<1x392x96xf32, #tpu.memory_space<hbm>>
      %dma_wait3A_1406 = tpu.memref_squeeze %dma_wait3A_1405 : memref<1x392x96xf32, #tpu.memory_space<hbm>> -> memref<392x96xf32, #tpu.memory_space<hbm>>
      %dma_wait3A_1407 = arith.constant 0 : i32
      %dma_wait3A_1408 = tpu.memref_slice %arg5[%run_scoped3A_1398, %mul3A_2, %dma_wait3A_1407] : memref<2x12544x96xf32, #tpu.memory_space<hbm>> -> memref<1x392x96xf32, #tpu.memory_space<hbm>>
      %dma_wait3A_1409 = tpu.memref_squeeze %dma_wait3A_1408 : memref<1x392x96xf32, #tpu.memory_space<hbm>> -> memref<392x96xf32, #tpu.memory_space<hbm>>
      tpu.wait_dma2 semaphore(%run_scoped3A_1399 : memref<!tpu.dma_semaphore, #tpu.memory_space<semaphore_mem>>) src(%arg9 : memref<392x96xf32, #tpu.memory_space<vmem>>) dst(%dma_wait3A_1409 : memref<392x96xf32, #tpu.memory_space<hbm>>)
      tpu.yield
    }) : () -> ()
    return
  }
}

module attributes {stable_mosaic.version = 14 : i64} {
  func.func @_lin_body(%arg0: i32, %arg1: i32, %arg2: memref<1x96x896xf32, #tpu.memory_space<vmem>>, %arg3: memref<96x96xf32, #tpu.memory_space<vmem>>, %arg4: memref<1x896x96xf32, #tpu.memory_space<vmem>>) attributes {dimension_semantics = [#tpu.dimension_semantics<arbitrary>, #tpu.dimension_semantics<arbitrary>], iteration_bounds = array<i64: 2, 16>, scalar_prefetch = 0 : i64, scratch_operands = 0 : i64, tpu.core_type = #tpu.core_type<tc>, window_params = [{transform_indices = @transform_0, window_bounds = array<i64: 1, 96, 896>}, {pipeline_mode = #tpu.pipeline_mode<synchronous>, transform_indices = @transform_1, window_bounds = array<i64: 96, 96>}, {transform_indices = @transform_2, window_bounds = array<i64: 1, 896, 96>}]} {
    %sub3A = arith.constant 1 : i32
    %sub3A_0 = arith.subi %arg1, %sub3A : i32
    %mul3A = arith.constant 896 : i32
    %mul3A_1 = arith.muli %sub3A_0, %mul3A : i32
    %iota3A = tpu.iota {dimensions = array<i32: 0>} : vector<896x1xi32>
    %add3A = vector.broadcast %mul3A_1 : i32 to vector<896x1xi32>
    %add3A_2 = arith.addi %add3A, %iota3A : vector<896x1xi32>
    %min3A = arith.constant 9 : i32
    %min3A_3 = vector.broadcast %min3A : i32 to vector<896x1xi32>
    %min3A_4 = arith.minsi %add3A_2, %min3A_3 : vector<896x1xi32>
    %sub3A_5 = arith.constant 12543 : i32
    %sub3A_6 = vector.broadcast %sub3A_5 : i32 to vector<896x1xi32>
    %sub3A_7 = arith.subi %sub3A_6, %add3A_2 : vector<896x1xi32>
    %min3A_8 = arith.constant 9 : i32
    %min3A_9 = vector.broadcast %min3A_8 : i32 to vector<896x1xi32>
    %min3A_10 = arith.minsi %sub3A_7, %min3A_9 : vector<896x1xi32>
    %add3A_11 = arith.addi %min3A_4, %min3A_10 : vector<896x1xi32>
    %add3A_12 = arith.constant 1 : i32
    %add3A_13 = vector.broadcast %add3A_12 : i32 to vector<896x1xi32>
    %add3A_14 = arith.addi %add3A_11, %add3A_13 : vector<896x1xi32>
    %max3A = arith.constant 1 : i32
    %max3A_15 = vector.broadcast %max3A : i32 to vector<896x1xi32>
    %max3A_16 = arith.maxsi %add3A_14, %max3A_15 : vector<896x1xi32>
    %convert_element_type3A = arith.sitofp %max3A_16 : vector<896x1xi32> to vector<896x1xf32>
    %rsqrt3A = math.rsqrt %convert_element_type3A : vector<896x1xf32>
    %get3A = arith.constant 0 : index
    %get3A_17 = arith.constant 0 : index
    %get3A_18 = arith.constant 0 : index
    %get3A_19 = vector.load %arg2[%get3A, %get3A_17, %get3A_18] : memref<1x96x896xf32, #tpu.memory_space<vmem>>, vector<1x96x896xf32>
    %get3A_20 = vector.shape_cast %get3A_19 : vector<1x96x896xf32> to vector<96x896xf32>
    %get3A_21 = arith.constant 0 : index
    %get3A_22 = arith.constant 0 : index
    %get3A_23 = vector.load %arg3[%get3A_21, %get3A_22] : memref<96x96xf32, #tpu.memory_space<vmem>>, vector<96x96xf32>
    %dot_general3A = arith.constant dense<0.000000e+00> : vector<896x96xf32>
    %dot_general3A_24 = tpu.matmul %get3A_20, %get3A_23, %dot_general3A {dimension_numbers = #tpu.dot_dimension_numbers<[0], [0], [1], [1], [0, 1, 1, 1], [], []>, transpose_lhs_hint = false} : vector<96x896xf32>, vector<96x96xf32>, vector<896x96xf32> -> vector<896x96xf32>
    %ge3A = arith.constant 1 : i32
    %ge3A_25 = arith.cmpi sge, %arg1, %ge3A : i32
    %le3A = arith.constant 14 : i32
    %le3A_26 = arith.cmpi sle, %arg1, %le3A : i32
    %and3A = arith.andi %ge3A_25, %le3A_26 : i1
    %mul3A_27 = vector.broadcast %rsqrt3A : vector<896x1xf32> to vector<896x96xf32>
    %mul3A_28 = arith.mulf %dot_general3A_24, %mul3A_27 : vector<896x96xf32>
    %jit3A = arith.constant 0.000000e+00 : f32
    %broadcast_in_dim3A = vector.broadcast %jit3A : f32 to vector<896x96xf32>
    %select_n3A = arith.select %and3A, %mul3A_28, %broadcast_in_dim3A : vector<896x96xf32>
    %swap3A = arith.constant 0 : index
    %swap3A_29 = arith.constant 0 : index
    %swap3A_30 = arith.constant 0 : index
    %swap3A_31 = vector.load %arg4[%swap3A, %swap3A_29, %swap3A_30] : memref<1x896x96xf32, #tpu.memory_space<vmem>>, vector<1x896x96xf32>
    %swap3A_32 = vector.shape_cast %swap3A_31 : vector<1x896x96xf32> to vector<896x96xf32>
    %swap3A_33 = vector.shape_cast %select_n3A : vector<896x96xf32> to vector<1x896x96xf32>
    tpu.vector_store %arg4[%swap3A, %swap3A_29, %swap3A_30], %swap3A_33 {strides = array<i32>} : memref<1x896x96xf32, #tpu.memory_space<vmem>>, vector<1x896x96xf32>,
    return
  }
  func.func @transform_0(%arg0: i32, %arg1: i32) -> (i32, i32, i32) {
    %sub3A = arith.constant 1 : i32
    %sub3A_0 = arith.subi %arg1, %sub3A : i32
    %jit3A = arith.constant 0 : i32
    %jit3A_1 = arith.constant 13 : i32
    %max3A = arith.maxsi %jit3A, %sub3A_0 : i32
    %min3A = arith.minsi %jit3A_1, %max3A : i32
    %c0_i32 = arith.constant 0 : i32
    %c0_i32_2 = arith.constant 0 : i32
    return %arg0, %c0_i32, %min3A : i32, i32, i32
  }
  func.func @transform_1(%arg0: i32, %arg1: i32) -> (i32, i32) {
    %c0_i32 = arith.constant 0 : i32
    %c0_i32_0 = arith.constant 0 : i32
    %c0_i32_1 = arith.constant 0 : i32
    return %c0_i32, %c0_i32_0 : i32, i32
  }
  func.func @transform_2(%arg0: i32, %arg1: i32) -> (i32, i32, i32) {
    %c0_i32 = arith.constant 0 : i32
    %c0_i32_0 = arith.constant 0 : i32
    return %arg0, %arg1, %c0_i32 : i32, i32, i32
  }
}

</mosaic_0001>

<sc_bundles>
// kernel: kernel.4.cloned.1.call-start
scs
__scs_entry_jumppad:
0x0: {  	(pc) =	sbr.rel $0x88, $3  }
0x1: {  	(tag) =	ssettag $0x0;
	lr =	simm.s32 $0x1  }
0x2: {  	[smem:$0x3F9E] =	sst lr;
	_ =	strace $0xD0000000  }
0x3: {  	_ = 	snop  }
0x4: {  	_ = 	snop  }
0x5: {  	_ = 	snop  }
0x6: {  	_ = 	snop  }
0x7: {  	_ = 	snop  }
__scs_overlays_trampoline_lowered:
0x8: {  	[smem:$0x3FAD] =	sst s0  }
0x9: {  	[smem:$0x3FAE] =	sst s1  }
0xa: {  	[smem:$0x3FAF] =	sst s2  }
0xb: {  	[smem:$0x3FB0] =	sst s3  }
0xc: {  	[smem:$0x3FB1] =	sst s4  }
0xd: {  	[smem:$0x3FB2] =	sst s5  }
0xe: {  	[smem:$0x3FB3] =	sst s6  }
0xf: {  	[smem:$0x3FB4] =	sst s7  }
0x10: {  	[smem:$0x3FB5] =	sst s8  }
0x11: {  	[smem:$0x3FB6] =	sst s9;
	s0 =	simm.s32 @!p0 $0x0  }
0x12: {  	s1 =	sld [smem:$0x3F9C];
	s0 =	simm.s32 @p0 $0x1  }
0x13: {  	[smem:$0x3FB7] =	sst s0;
	s0 =	simm.s32 @!p1 $0x0  }
0x14: {  	s2 =	sld [smem:$0x3F9B];
	s0 =	simm.s32 @p1 $0x1  }
0x15: {  	[smem:$0x3FB8] =	sst s0;
	s0 =	simm.s32 @!p2 $0x0  }
0x16: {  	s3 =	sld [smem:$0x3FDB];
	s0 =	simm.s32 @p2 $0x1  }
0x17: {  	s4 =	simm.s32 $0x1BF5;
	[smem:$0x3FBA] =	sst s0  }
0x18: {  	s0 =	sld [smem:$0x3F9D];
	_ =	swait.ge [sflag:s4], $0x0  }
0x19: {  	s7 =	sld [smem:$0x3F9E]  }
0x1a: {  	s8 =	sadd.s32 $0xFFFFE003, lr  }
0x1b: {  	s9 =	sadd.s32 $0xFFFFFEF7, lr;
	s5 =	simm.s32 $0xFFFFFFFF;
	p2 =	slt.u32 s8, $0xFFFFF086  }
0x1c: {  	p1 =	slt.u32 s9, $0xF7A;
	s5 =	simm.s32 @!p2 $0x0  }
0x1d: {  	s5 =	simm.s32 @p1 $0x1;
	p0 =	seq.s32 s7, s2  }
0x1e: {  	s7 =	smul.u32 @!p0 $0xF7A, s2;
	p2 =	seq.s32 @!p0 s5, $0x0  }
0x1f: {  	s9 =	smul.u32 $0xF7A, s1;
	s8 =	simm.s32 @!p0 $0x1BF5;
	p2 =	por !p2, p0  }
0x20: {  	[sflag:s8] =	ssyncset.s32 @!p0 $0xFFFFF086;
	s6 =	sadd.s32 @!p0 s3, s7;
	s7 =	simm.s32 @!p0 $0x108  }
0x21: {  	s3 =	sadd.s32 s3, s9;
	s6 =	sadd.s32 @!p0 $0x88, s6;
	s7 =	simm.s32 @p2 $0x1082  }
0x22: {  	[simem:s7], [sflag:s8] =	dma.local @!p0 [hbm:s6], $0xF7A  }
0x23: {  	s9 =	sor.u32 $0xD0000000, s2;
	s6 =	simm.s32 $0x108;
	_ =	swait.ge @!p0 [sflag:s8], $0x0  }
0x24: {  	s3 =	sadd.s32 $0x88, s3;
	s6 =	simm.s32 @!p1 $0x1082;
	[sflag:s4] =	ssyncset.s32 $0xFFFFF086  }
0x25: {  	[simem:s6], [sflag:s4] =	dma.local [hbm:s3], $0xF7A  }
0x26: {  	[smem:$0x3F9E] =	sst s1;
	(tag) =	ssettag s2;
	_ =	strace s9  }
0x27: {  	s1 =	sld [smem:$0x3FAE]  }
0x28: {  	s2 =	sld [smem:$0x3FAF]  }
0x29: {  	s4 =	sld [smem:$0x3FB1]  }
0x2a: {  	p0 =	seq.s32 s5, $0x0;
	s5 =	sld [smem:$0x3FB2]  }
0x2b: {  	s6 =	sld [smem:$0x3FB3]  }
0x2c: {  	s7 =	sld [smem:$0x3FB4]  }
0x2d: {  	s3 =	simm.s32 $0x108;
	s8 =	sld [smem:$0x3FB5]  }
0x2e: {  	s3 =	simm.s32 @!p0 $0x1082;
	s9 =	sld [smem:$0x3FB6]  }
0x2f: {  	lr =	sadd.s32 s0, s3;
	s0 =	sld [smem:$0x3FAD]  }
0x30: {  	s3 =	sld [smem:$0x3FB0]  }
0x31: {  	[smem:$0x3FB9] =	sst s10  }
0x32: {  	s10 =	sld [smem:$0x3FB7];
	_ =	sdelay $0x3  }
0x33: {  	p0 =	seq.s32 s10, $0x1;
	s10 =	sld [smem:$0x3FB9];
	_ =	sdelay $0x3  }
0x34: {  	[smem:$0x3FB9] =	sst s10  }
0x35: {  	s10 =	sld [smem:$0x3FB8];
	_ =	sdelay $0x3  }
0x36: {  	p1 =	seq.s32 s10, $0x1;
	s10 =	sld [smem:$0x3FB9];
	_ =	sdelay $0x3  }
0x37: {  	[smem:$0x3FB9] =	sst s10  }
0x38: {  	s10 =	sld [smem:$0x3FBA]  }
0x39: {  	_ = 	snop;
	(pc) =	sbr.ind lr, $3  }
0x3a: {  	_ = 	snop  }
0x3b: {  	_ = 	snop  }
0x3c: {  	p2 =	seq.s32 s10, $0x1;
	s10 =	sld [smem:$0x3FB9]  }
0x3d: {  	_ =	shalt  }
0x3e: {  	_ =	shalt  }
0x3f: {  	_ =	shalt  }
0x40: {  	_ =	shalt  }
0x41: {  	_ =	shalt  }
0x42: {  	_ =	shalt  }
0x43: {  	_ =	shalt  }
0x44: {  	_ =	shalt  }
0x45: {  	_ =	shalt  }
0x46: {  	_ =	shalt  }
0x47: {  	_ =	shalt  }
0x48: {  	_ =	shalt  }
0x49: {  	_ =	shalt  }
0x4a: {  	_ =	shalt  }
0x4b: {  	_ =	shalt  }
0x4c: {  	_ =	shalt  }
0x4d: {  	_ =	shalt  }
0x4e: {  	_ =	shalt  }
0x4f: {  	_ =	shalt  }
0x50: {  	_ =	shalt  }
0x51: {  	_ =	shalt  }
0x52: {  	_ =	shalt  }
0x53: {  	_ =	shalt  }
0x54: {  	_ =	shalt  }
0x55: {  	_ =	shalt  }
0x56: {  	_ =	shalt  }
0x57: {  	_ =	shalt  }
0x58: {  	_ =	shalt  }
0x59: {  	_ =	shalt  }
0x5a: {  	_ =	shalt  }
0x5b: {  	_ =	shalt  }
0x5c: {  	_ =	shalt  }
0x5d: {  	_ =	shalt  }
0x5e: {  	_ =	shalt  }
0x5f: {  	_ =	shalt  }
0x60: {  	_ =	shalt  }
0x61: {  	_ =	shalt  }
0x62: {  	_ =	shalt  }
0x63: {  	_ =	shalt  }
0x64: {  	_ =	shalt  }
0x65: {  	_ =	shalt  }
0x66: {  	_ =	shalt  }
0x67: {  	_ =	shalt  }
0x68: {  	_ =	shalt  }
0x69: {  	_ =	shalt  }
0x6a: {  	_ =	shalt  }
0x6b: {  	_ =	shalt  }
0x6c: {  	_ =	shalt  }
0x6d: {  	_ =	shalt  }
0x6e: {  	_ =	shalt  }
0x6f: {  	_ =	shalt  }
0x70: {  	_ =	shalt  }
0x71: {  	_ =	shalt  }
0x72: {  	_ =	shalt  }
0x73: {  	_ =	shalt  }
0x74: {  	_ =	shalt  }
0x75: {  	_ =	shalt  }
0x76: {  	_ =	shalt  }
0x77: {  	_ =	shalt  }
0x78: {  	_ =	shalt  }
0x79: {  	_ =	shalt  }
0x7a: {  	_ =	shalt  }
0x7b: {  	_ =	shalt  }
0x7c: {  	_ =	shalt  }
0x7d: {  	_ =	shalt  }
0x7e: {  	_ =	shalt  }
0x7f: {  	_ =	shalt  }
0x80: {  	_ =	shalt  }
0x81: {  	_ =	shalt  }
0x82: {  	_ =	shalt  }
0x83: {  	_ =	shalt  }
0x84: {  	_ =	shalt  }
0x85: {  	_ =	shalt  }
0x86: {  	_ =	shalt  }
0x87: {  	_ =	shalt  }
.Lfunc_end0:
.L_simem_size_0:
called_computation_lowered:
.L_overlay_start_0:
0x88: {  	s2 =	sld [smem:$0x3FD9]  }
0x89: {  	s3 =	sld [smem:$0x3FFE];
	_ =	sdelay $0x1  }
0x8a: {  	s1 =	srdreg.scid  }
0x8b: {  	s0 =	sand.u32 $0x1, s1  }
0x8c: {  	s17 =	sshll.u32 s0, $0xA;
	s2 =	sadd.s32 s3, s2  }
0x8d: {  	s2 =	sadd.s32 s2, s17  }
0x8e: {  	[smem:$0x3FC5] =	sst s2  }
0x8f: {  	_ = 	snop  }
0x90: {  	s2 =	sld [smem:$0x3FC7]  }
0x91: {  	s18 =	sld [smem:$0x3FD0];
	(tm) =	ssettm $0x1  }
0x92: {  	s4 =	sld [smem:$0x3FFB];
	_ =	sdelay $0x3  }
0x93: {  	_ =	strace s4  }
0x94: {  	s4 =	sld [smem:$0x3FFC];
	_ =	sdelay $0x3  }
0x95: {  	_ =	strace s4  }
0x96: {  	s4 =	sld [smem:$0x3FFD];
	_ =	sdelay $0x3  }
0x97: {  	_ =	strace s4  }
0x98: {  	_ =	strace $0x8FFFFFFF  }
0x99: {  	s19 =	sld [smem:$0x3FDB];
	_ =	sdelay $0x1  }
0x9a: {  	s5 =	simm.s32 $_scs_section_size  }
0x9b: {  	s6 =	simm.s32 $_size__tile_overlayer_lowered;
	s7 =	simm.s32 $_tile_overlayer_lowered  }
0x9c: {  	s22 =	simm.s32 $0x1BFF;
	s21 =	sshll.u32 s7, $0x1;
	s4 =	sadd.s32 s5, s19  }
0x9d: {  	s8 =	simm.s32 $0x0;
	s20 =	sshll.u32 s6, $0x1;
	s6 =	sadd.s32 s21, s4  }
0x9e: {  	[timem:s8], [sflag:s22] =	dma.local [hbm:s6], s20  }
0x9f: {  	_ =	swait.ge [sflag:s22], s20  }
0xa0: {  	s5 =	ssub.s32 $0x0, s20;
	[sflag:s22] =	ssyncset.done $0x0  }
0xa1: {  	[sflag:s22] =	ssyncadd.s32 s5;
	_ =	sdelay $0x1  }
0xa2: {  	s23 =	simm.s32 $0x1B8B  }
0xa3: {  	_ =	swait.ge [sflag:s23], $0x1  }
0xa4: {  	[sflag:s23] =	ssyncset.done $0x0  }
0xa5: {  	s25 =	simm.s32 $0x1B8E;
	s24 =	sld [smem:$0x3FFE];
	[sflag:s23] =	ssyncadd.s32 $0xFFFFFFFF  }
0xa6: {  	s26 =	simm.s32 $execute0_lowered;
	[smem:$0x3FD2] =	sst s25  }
0xa7: {  	s6 =	sshll.u32 s26, $0x1;
	_ =	strace $0x80000046;
	[dreg:$0x1] =	wrdreg $0xFFFFFFFF  }
0xa8: {  	s28 =	simm.s32 $_size_execute0_lowered;
	s4 =	sadd.s32 s4, s6;
	[dreg:$0x0] =	wrdreg $0x0  }
0xa9: {  	s6 =	sshll.u32 s28, $0x1;
	[dreg:$0x2] =	wrdreg s4  }
0xaa: {  	[dreg:$0x3] =	wrdreg s6  }
0xab: {  	[dreg:$0x4] =	wrdreg $0xC0  }
0xac: {  	_ =	task [dreg:s8], $0x5FFFF  }
0xad: {  	[dreg:$0x1] =	wrdreg $0xFFFFFFFF  }
0xae: {  	[dreg:$0x0] =	wrdreg $0x60  }
0xaf: {  	[dreg:$0x2] =	wrdreg s24  }
0xb0: {  	[dreg:$0x3] =	wrdreg s18  }
0xb1: {  	[dreg:$0x4] =	wrdreg s2  }
0xb2: {  	[dreg:$0x5] =	wrdreg $0x9  }
0xb3: {  	_ =	task.clear_ibuf [dreg:s8], $0x6FFFF;
	_ =	strace $0x90000046  }
0xb4: {  	s29 =	simm.s32 $0x9;
	_ =	strace $0x80000048  }
0xb5: {  	_ =	swait.ge [sflag:s29], $0x1  }
0xb6: {  	[sflag:s29] =	ssyncadd.s32 $0xFFFFFFFF  }
0xb7: {  	_ =	strace $0x90000048  }
0xb8: {  	_ =	sfence  }
0xb9: {  	s30 =	sld [smem:$0x0];
	_ =	sdelay $0x2  }
0xba: {  	s31 =	sshll.u32 s1, $0xD;
	s1 =	sshrl.u32 s1, $0x2  }
0xbb: {  	s3 =	sand.u32 $0x4000, s31;
	s1 =	sadd.s32 s1, s30  }
0xbc: {  	s0 =	sor.u32 s3, s0;
	s1 =	sshll.u32 s1, $0x11  }
0xbd: {  	s0 =	sor.u32 s1, s0  }
0xbe: {  	s0 =	sadd.s32 $0x8F2B, s0  }
0xbf: {  	[sflag:s0] =	ssyncadd.remote.s32 $0x1  }
0xc0: {  	_ =	sfence.sel $0xFFFF  }
0xc1: {  	[dreg:$0x0] =	wrdreg $0xFFFFFFFF;
	(pc) =	sbr.abs _section_cstart, $3  }
0xc2: {  	[dreg:$0x1] =	wrdreg $0xFFFFFFFF  }
0xc3: {  	_ =	task.clear_ibuf [dreg:s8], $0x2FFFF;
	_ =	strace $0x9FFFFFFF  }
0xc4: {  	(tm) =	ssettm $0x7FFFFFFF  }
0xc5: {  	_ =	shalt  }
tec
execute0_lowered:
.L_overlay_start_1:
0x0: {  	(tag) =	ssettag $0x1  }
0x1: {  	s4 =	rddreg [dreg:$0x0]  }
0x2: {  	s1 =	srdreg.scid;
	s5 =	rddreg [dreg:$0x1]  }
0x3: {  	s0 =	stileid.u32;
	s2 =	rddreg [dreg:$0x2]  }
0x4: {  	s3 =	simm.s32 $0x0;
	s6 =	sand.u32 $0x1, s1;
	s31 =	sshll.u32 s0, $0x1  }
0x5: {  	s10 =	simm.s32 $0xEC80;
	s11 =	simm.s32 $0x1;
	s7 =	sor.u32 s6, s31  }
0x6: {  	s12 =	simm.s32 $0xED00;
	s1 =	rddreg [dreg:$0x3];
	s8 =	smul.u32 $0xC400, s7  }
0x7: {  	s13 =	simm.s32 $0x0;
	[smem:$0x7FF] =	sst s3;
	s6 =	ssub.s32 $0x2, s6  }
0x8: {  	s7 =	smul.u32 $0x310, s7;
	s9 =	sshrl.u32 s6, $0x1;
	s8 =	sshrl.u32 s8, $0x3  }
0x9: {  	_ =	strace $0x80000047;
	s9 =	ssub.s32 s6, s9;
	s8 =	sadd.s32 s8, s4  }
0xa: {  	s9 =	smax.u32 s9, $0x1;
	s4 =	sadd.s32 s5, s7;
	s5 =	sadd.s32 $0x3F00, s8  }
0xb: {  	s6 =	sadd.s32 $0x70800, s8;
	s7 =	sadd.s32 $0x3BF00, s8;
	s8 =	sadd.s32 $0xA1800, s8  }
.LBB2_1:
0xc: {  	[tilespmem:s10], [sflag:$0x1] =	stream.linear.gather [hbm4b:s2+s3], $0x80, $0x38;
	[tilespmem:$0x1B100] =	vst v63  }
0xd: {  	_ =	swait.ge [sflag:s11], $0x80  }
0xe: {  	[sflag:s11] =	ssyncset.done $0x0  }
0xf: {  	s14 =	simm.s32 $0xD400;
	[sflag:s11] =	ssyncadd.s32 $0xFFFFFF80  }
0x10: {  	[tilespmem:s14], [sflag:$0x1] =	stream.linear.gather [hbm4b:s4+s3], $0x1880, $0x38;
	[tilespmem:$0x1B100] =	vst v63  }
0x11: {  	_ =	swait.ge [sflag:s11], $0x1880  }
0x12: {  	[sflag:s11] =	ssyncset.done $0x0  }
0x13: {  	[sflag:s11] =	ssyncadd.s32 $0xFFFFE780  }
0x14: {  	v5 =	vld [tilespmem:$0xEC80]  }
0x15: {  	v4 =	vld [tilespmem:$0xEC90]  }
0x16: {  	v3 =	vld [tilespmem:$0xECA0]  }
0x17: {  	v2 =	vld [tilespmem:$0xECB0]  }
0x18: {  	v1 =	vld [tilespmem:$0xECC0]  }
0x19: {  	v0 =	vld [tilespmem:$0xECD0];
	[tilespmem:s3], [sflag:$0x1] =	stream.linear.gather [hbm4b:s5+s3], $0xD400, $0x38  }
0x1a: {  	_ =	swait.ge [sflag:s11], $0xD400  }
0x1b: {  	[sflag:s11] =	ssyncset.done $0x0  }
0x1c: {  	[sflag:s11] =	ssyncadd.s32 $0xFFFF2C00  }
0x1d: {  	v6 =	vld [tilespmem:$0x380]  }
0x1e: {  	v7 =	vld [tilespmem:$0x390]  }
0x1f: {  	v8 =	vld [tilespmem:$0x3A0]  }
0x20: {  	v9 =	vld [tilespmem:$0x3B0]  }
0x21: {  	v10 =	vld [tilespmem:$0x3C0]  }
0x22: {  	v11 =	vld [tilespmem:$0x3D0]  }
0x23: {  	v12 =	vld [tilespmem:$0x400]  }
0x24: {  	v13 =	vld [tilespmem:$0x410]  }
0x25: {  	v14 =	vld [tilespmem:$0x420]  }
0x26: {  	v15 =	vld [tilespmem:$0x430]  }
0x27: {  	v16 =	vld [tilespmem:$0x440]  }
0x28: {  	v17 =	vld [tilespmem:$0x450]  }
0x29: {  	v18 =	vld [tilespmem:$0x480]  }
0x2a: {  	v19 =	vld [tilespmem:$0x490]  }
0x2b: {  	v20 =	vld [tilespmem:$0x4A0]  }
0x2c: {  	v21 =	vld [tilespmem:$0x4B0]  }
0x2d: {  	v22 =	vld [tilespmem:$0x4C0]  }
0x2e: {  	v23 =	vld [tilespmem:$0x4D0]  }
0x2f: {  	v24 =	vld [tilespmem:$0x500]  }
0x30: {  	v25 =	vld [tilespmem:$0x510]  }
0x31: {  	v26 =	vld [tilespmem:$0x520]  }
0x32: {  	v27 =	vld [tilespmem:$0x530]  }
0x33: {  	v28 =	vld [tilespmem:$0x540]  }
0x34: {  	v29 =	vld [tilespmem:$0x550]  }
0x35: {  	v30 =	vld [tilespmem:$0x580]  }
0x36: {  	v31 =	vld [tilespmem:$0x590]  }
0x37: {  	v32 =	vld [tilespmem:$0x5A0]  }
0x38: {  	v33 =	vld [tilespmem:$0x5B0]  }
0x39: {  	v34 =	vld [tilespmem:$0x5C0]  }
0x3a: {  	v35 =	vld [tilespmem:$0x5D0]  }
0x3b: {  	v36 =	vld [tilespmem:$0x600]  }
0x3c: {  	v37 =	vld [tilespmem:$0x610]  }
0x3d: {  	v38 =	vld [tilespmem:$0x620]  }
0x3e: {  	v39 =	vld [tilespmem:$0x630]  }
0x3f: {  	v40 =	vld [tilespmem:$0x640]  }
0x40: {  	v41 =	vld [tilespmem:$0x650]  }
0x41: {  	v42 =	vld [tilespmem:$0x680]  }
0x42: {  	v43 =	vld [tilespmem:$0x690]  }
0x43: {  	v44 =	vld [tilespmem:$0x6A0]  }
0x44: {  	v45 =	vld [tilespmem:$0x6B0]  }
0x45: {  	v46 =	vld [tilespmem:$0x6C0]  }
0x46: {  	v47 =	vld [tilespmem:$0x6D0]  }
0x47: {  	v48 =	vld [tilespmem:$0x700]  }
0x48: {  	v49 =	vld [tilespmem:$0x710]  }
0x49: {  	v50 =	vld [tilespmem:$0x720]  }
0x4a: {  	v51 =	vld [tilespmem:$0x730]  }
0x4b: {  	v52 =	vld [tilespmem:$0x740]  }
0x4c: {  	v53 =	vld [tilespmem:$0x750]  }
0x4d: {  	v54 =	vld [tilespmem:$0x780]  }
0x4e: {  	v55 =	vld [tilespmem:$0x790]  }
0x4f: {  	v56 =	vld [tilespmem:$0x7A0]  }
0x50: {  	v57 =	vld [tilespmem:$0x7B0]  }
0x51: {  	v58 =	vld [tilespmem:$0x7C0]  }
0x52: {  	v63 =	vld [tilespmem:$0x830]  }
0x53: {  	v59 =	vld [tilespmem:$0x7D0]  }
0x54: {  	v60 =	vld [tilespmem:$0x800]  }
0x55: {  	v61 =	vld [tilespmem:$0x810]  }
0x56: {  	v62 =	vld [tilespmem:$0x820]  }
0x57: {  	[tilespmem:$0x1FF70] =	vst v63;
	v63 =	vld [tilespmem:$0x840]  }
0x58: {  	v6 =	vadd.f32 v12, v6;
	v12 =	vld [tilespmem:$0x910]  }
0x59: {  	v7 =	vadd.f32 v13, v7;
	v13 =	vld [tilespmem:$0x920]  }
0x5a: {  	v8 =	vadd.f32 v14, v8;
	v14 =	vld [tilespmem:$0x930]  }
0x5b: {  	v9 =	vadd.f32 v15, v9;
	v15 =	vld [tilespmem:$0x940]  }
0x5c: {  	v10 =	vadd.f32 v16, v10;
	v16 =	vld [tilespmem:$0x950]  }
0x5d: {  	v11 =	vadd.f32 v17, v11;
	v17 =	vld [tilespmem:$0x980]  }
0x5e: {  	v6 =	vadd.f32 v18, v6;
	v18 =	vld [tilespmem:$0x990]  }
0x5f: {  	v7 =	vadd.f32 v19, v7;
	v19 =	vld [tilespmem:$0x9A0]  }
0x60: {  	[tilespmem:$0x1FF80] =	vst v63;
	v63 =	vld [tilespmem:$0x850]  }
0x61: {  	v8 =	vadd.f32 v20, v8;
	v20 =	vld [tilespmem:$0x9B0]  }
0x62: {  	v9 =	vadd.f32 v21, v9;
	v21 =	vld [tilespmem:$0x9C0]  }
0x63: {  	v10 =	vadd.f32 v22, v10;
	v22 =	vld [tilespmem:$0x9D0]  }
0x64: {  	v11 =	vadd.f32 v23, v11;
	v23 =	vld [tilespmem:$0xA00]  }
0x65: {  	[tilespmem:$0x1FF90] =	vst v63;
	v63 =	vld [tilespmem:$0x880]  }
0x66: {  	v6 =	vadd.f32 v24, v6;
	v24 =	vld [tilespmem:$0xA10]  }
0x67: {  	v7 =	vadd.f32 v25, v7;
	v25 =	vld [tilespmem:$0xA20]  }
0x68: {  	v8 =	vadd.f32 v26, v8;
	v26 =	vld [tilespmem:$0xA30]  }
0x69: {  	v9 =	vadd.f32 v27, v9;
	v27 =	vld [tilespmem:$0xA40]  }
0x6a: {  	[tilespmem:$0x1FFA0] =	vst v63;
	v63 =	vld [tilespmem:$0x890]  }
0x6b: {  	v10 =	vadd.f32 v28, v10;
	v28 =	vld [tilespmem:$0xA50]  }
0x6c: {  	v11 =	vadd.f32 v29, v11;
	v29 =	vld [tilespmem:$0xA80]  }
0x6d: {  	v6 =	vadd.f32 v30, v6;
	v30 =	vld [tilespmem:$0xA90]  }
0x6e: {  	v7 =	vadd.f32 v31, v7;
	v31 =	vld [tilespmem:$0xAA0]  }
0x6f: {  	[tilespmem:$0x1FFB0] =	vst v63;
	v63 =	vld [tilespmem:$0x8A0]  }
0x70: {  	v8 =	vadd.f32 v32, v8;
	v9 =	vadd.f32 v33, v9;
	v32 =	vld [tilespmem:$0xAB0]  }
0x71: {  	v10 =	vadd.f32 v34, v10;
	v11 =	vadd.f32 v35, v11;
	v33 =	vld [tilespmem:$0xAC0]  }
0x72: {  	v34 =	vld [tilespmem:$0xAD0];
	v6 =	vadd.f32 v36, v6;
	v7 =	vadd.f32 v37, v7  }
0x73: {  	v35 =	vld [tilespmem:$0xB00];
	v9 =	vadd.f32 v39, v9;
	v11 =	vadd.f32 v41, v11  }
0x74: {  	v10 =	vadd.f32 v40, v10;
	v7 =	vadd.f32 v43, v7;
	[tilespmem:$0x1FFC0] =	vst v63;
	v63 =	vld [tilespmem:$0x8B0]  }
0x75: {  	v9 =	vadd.f32 v45, v9;
	v11 =	vadd.f32 v47, v11;
	v45 =	vld [tilespmem:$0xB10]  }
0x76: {  	v10 =	vadd.f32 v46, v10;
	v46 =	vld [tilespmem:$0xB20];
	v7 =	vadd.f32 v49, v7  }
0x77: {  	v8 =	vadd.f32 v38, v8;
	v11 =	vadd.f32 v53, v11;
	v53 =	vld [tilespmem:$0x1FFB0]  }
0x78: {  	v6 =	vadd.f32 v42, v6;
	v47 =	vld [tilespmem:$0x1FF70];
	v7 =	vadd.f32 v55, v7  }
0x79: {  	v8 =	vadd.f32 v44, v8;
	[tilespmem:$0x1FFD0] =	vst v63;
	v63 =	vld [tilespmem:$0x8C0]  }
0x7a: {  	v6 =	vadd.f32 v48, v6;
	v48 =	vld [tilespmem:$0x1FF80];
	v7 =	vadd.f32 v61, v7  }
0x7b: {  	v8 =	vadd.f32 v50, v8;
	v9 =	vadd.f32 v51, v9;
	v49 =	vld [tilespmem:$0xB30]  }
0x7c: {  	v6 =	vadd.f32 v54, v6;
	v7 =	vadd.f32 v53, v7;
	v54 =	vld [tilespmem:$0x1FFC0]  }
0x7d: {  	v10 =	vadd.f32 v52, v10;
	v50 =	vld [tilespmem:$0x1FF90];
	v8 =	vadd.f32 v56, v8  }
0x7e: {  	v9 =	vadd.f32 v57, v9;
	v7 =	vadd.f32 v12, v7;
	[tilespmem:$0x1FFE0] =	vst v63;
	v63 =	vld [tilespmem:$0x8D0]  }
0x7f: {  	v52 =	vld [tilespmem:$0xB40];
	v10 =	vadd.f32 v58, v10;
	v8 =	vadd.f32 v62, v8  }
0x80: {  	v11 =	vadd.f32 v59, v11;
	v7 =	vadd.f32 v18, v7;
	v56 =	vld [tilespmem:$0x1FFD0]  }
0x81: {  	v6 =	vadd.f32 v60, v6;
	v51 =	vld [tilespmem:$0x1FFA0];
	v8 =	vadd.f32 v54, v8  }
0x82: {  	v9 =	vadd.f32 v47, v9;
	v60 =	vld [tilespmem:$0xB90];
	v7 =	vadd.f32 v24, v7  }
0x83: {  	v10 =	vadd.f32 v48, v10;
	v8 =	vadd.f32 v13, v8;
	[tilespmem:$0x1FFF0] =	vst v63;
	v63 =	vld [tilespmem:$0x900]  }
0x84: {  	v55 =	vld [tilespmem:$0xB50];
	v11 =	vadd.f32 v50, v11;
	v7 =	vadd.f32 v30, v7  }
0x85: {  	v8 =	vadd.f32 v19, v8;
	v9 =	vadd.f32 v56, v9;
	v57 =	vld [tilespmem:$0x1FFE0]  }
0x86: {  	v58 =	vld [tilespmem:$0xB80];
	v6 =	vadd.f32 v51, v6;
	v7 =	vadd.f32 v45, v7  }
0x87: {  	v12 =	vld [tilespmem:$0xBA0];
	v8 =	vadd.f32 v25, v8;
	v9 =	vadd.f32 v14, v9  }
0x88: {  	v7 =	vadd.f32 v60, v7;
	v59 =	vld [tilespmem:$0x1FFF0];
	v6 =	vadd.f32 v63, v6  }
0x89: {  	v61 =	vld [tilespmem:$0xCA0];
	v8 =	vadd.f32 v31, v8;
	v9 =	vadd.f32 v20, v9  }
0x8a: {  	v62 =	vld [tilespmem:s14+$0x0];
	v10 =	vadd.f32 v57, v10;
	v6 =	vadd.f32 v17, v6  }
0x8b: {  	v18 =	vld [tilespmem:$0xC20];
	v8 =	vadd.f32 v46, v8;
	v9 =	vadd.f32 v26, v9  }
0x8c: {  	v13 =	vld [tilespmem:$0xBB0];
	v10 =	vadd.f32 v15, v10;
	v6 =	vadd.f32 v23, v6  }
0x8d: {  	v19 =	vld [tilespmem:$0xC30];
	v8 =	vadd.f32 v12, v8;
	v11 =	vadd.f32 v59, v11  }
0x8e: {  	v14 =	vld [tilespmem:$0xBC0];
	v9 =	vadd.f32 v32, v9;
	v6 =	vadd.f32 v29, v6  }
0x8f: {  	v10 =	vadd.f32 v21, v10;
	v11 =	vadd.f32 v16, v11;
	v16 =	vld [tilespmem:$0xC00]  }
0x90: {  	v12 =	vadd.f32 v18, v8;
	v17 =	vld [tilespmem:$0xC10];
	v6 =	vadd.f32 v35, v6  }
0x91: {  	v10 =	vadd.f32 v27, v10;
	v11 =	vadd.f32 v22, v11;
	v22 =	vld [tilespmem:$0xC80]  }
0x92: {  	v20 =	vld [tilespmem:$0xC40];
	v9 =	vadd.f32 v49, v9;
	v6 =	vadd.f32 v58, v6  }
0x93: {  	v10 =	vadd.f32 v33, v10;
	v23 =	vld [tilespmem:$0xC90];
	v11 =	vadd.f32 v28, v11  }
0x94: {  	v15 =	vld [tilespmem:$0xBD0];
	v9 =	vadd.f32 v13, v9;
	v6 =	vadd.f32 v16, v6  }
0x95: {  	v21 =	vld [tilespmem:$0xC50];
	v10 =	vadd.f32 v52, v10;
	v11 =	vadd.f32 v34, v11  }
0x96: {  	v7 =	vadd.f32 v17, v7;
	v16 =	vld [tilespmem:$0xCB0];
	v22 =	vadd.f32 v22, v6  }
0x97: {  	v63 =	vld [tilespmem:$0xCC0];
	v10 =	vadd.f32 v14, v10;
	v11 =	vadd.f32 v55, v11  }
0x98: {  	s14 =	simm.s32 $0x0;
	v17 =	vld [tilespmem:$0xCD0];
	v14 =	vadd.f32 v19, v9;
	v23 =	vadd.f32 v23, v7;
	v13 =	vmul.f32 v62, v22  }
0x99: {  	v8 =	vld [tilespmem:s14+$0x390];
	v7 =	vadd.f32 v61, v12;
	v15 =	vadd.f32 v15, v11  }
0x9a: {  	v9 =	vld [tilespmem:s14+$0x3A0];
	v19 =	vadd.f32 v20, v10;
	v18 =	vmul.f32 v62, v23;
	v13 =	vadd.f32 v13, v5  }
0x9b: {  	v12 =	vld [tilespmem:s14+$0x3B0];
	v15 =	vadd.f32 v21, v15;
	v11 =	vadd.f32 v16, v14;
	v14 =	vmul.f32 v62, v7  }
0x9c: {  	v10 =	vld [tilespmem:s14+$0x3C0];
	v16 =	vadd.f32 v18, v4;
	[tilespmem:s14+$0xED00] =	vst v13;
	v13 =	vadd.f32 v63, v19  }
0x9d: {  	v20 =	vld [tilespmem:s14+$0xD00];
	v18 =	vmul.f32 v62, v11;
	v19 =	vadd.f32 v14, v3;
	v14 =	vadd.f32 v17, v15  }
0x9e: {  	v6 =	vld [tilespmem:s14+$0x380];
	[tilespmem:s14+$0xED10] =	vst v16;
	v15 =	vmul.f32 v62, v13  }
0x9f: {  	v21 =	vld [tilespmem:s14+$0xD10];
	v16 =	vadd.f32 v18, v2;
	[tilespmem:s14+$0xED20] =	vst v19;
	v19 =	vmul.f32 v62, v14  }
0xa0: {  	v17 =	vld [tilespmem:s14+$0xD20];
	v15 =	vadd.f32 v15, v1  }
0xa1: {  	v18 =	vld [tilespmem:s14+$0xD30];
	[tilespmem:s14+$0xED30] =	vst v16;
	v16 =	vadd.f32 v19, v0  }
0xa2: {  	v19 =	vld [tilespmem:s14+$0xD40];
	[tilespmem:s14+$0xED40] =	vst v15  }
0xa3: {  	s16 =	simm.s32 $0xD410;
	v20 =	vadd.f32 v20, v22;
	[tilespmem:s14+$0xED50] =	vst v16;
	v16 =	vld [tilespmem:s14+$0xD50]  }
0xa4: {  	s15 =	simm.s32 $0x200;
	s17 =	simm.s32 $0x400;
	v21 =	vadd.f32 v21, v23;
	v15 =	vld [tilespmem:s16+$0x0]  }
.LBB2_2:
0xa5: {  	p0 =	sne.s32 s17, $0x30E00;
	v20 =	vsub.f32 v20, v6;
	v6 =	vadd.f32 v17, v7;
	v17 =	vld [tilespmem:s14+$0x3D0]  }
0xa6: {  	v21 =	vsub.f32 v21, v8;
	v8 =	vadd.f32 v18, v11  }
0xa7: {  	s14 =	sshra.s32 s15, $0x2;
	s15 =	smov.u32 s17;
	v7 =	vsub.f32 v6, v9;
	v9 =	vadd.f32 v19, v13  }
0xa8: {  	v6 =	vld [tilespmem:s14+$0x380];
	v11 =	vsub.f32 v8, v12;
	v12 =	vadd.f32 v16, v14  }
0xa9: {  	v16 =	vmul.f32 v15, v20;
	v18 =	vmul.f32 v15, v21;
	v8 =	vld [tilespmem:s14+$0x390];
	v13 =	vsub.f32 v9, v10  }
0xaa: {  	v10 =	vmul.f32 v15, v7;
	v19 =	vmul.f32 v15, v11;
	v9 =	vld [tilespmem:s14+$0x3A0];
	v14 =	vsub.f32 v12, v17  }
0xab: {  	v16 =	vadd.f32 v16, v5;
	v17 =	vadd.f32 v18, v4;
	v18 =	vmul.f32 v15, v13;
	v12 =	vld [tilespmem:s14+$0x3B0]  }
0xac: {  	v22 =	vadd.f32 v10, v3;
	v19 =	vadd.f32 v19, v2;
	v15 =	vmul.f32 v15, v14;
	v10 =	vld [tilespmem:s14+$0x3C0]  }
0xad: {  	[tilespmem:s14+$0xED00] =	vst v16;
	v16 =	vadd.f32 v18, v1;
	v23 =	vld [tilespmem:s14+$0xD00]  }
0xae: {  	[tilespmem:s14+$0xED10] =	vst v17;
	v15 =	vadd.f32 v15, v0;
	v24 =	vld [tilespmem:s14+$0xD10]  }
.Ltmp0:
0xaf: {  	[tilespmem:s14+$0xED20] =	vst v22;
	v17 =	vld [tilespmem:s14+$0xD20];
	(pc) =	sbr.rel @p0 .LBB2_2-.Ltmp0, $4  }
0xb0: {  	[tilespmem:s14+$0xED30] =	vst v19;
	v18 =	vld [tilespmem:s14+$0xD30]  }
0xb1: {  	[tilespmem:s14+$0xED40] =	vst v16;
	v19 =	vld [tilespmem:s14+$0xD40]  }
0xb2: {  	s16 =	sadd.s32 $0x10, s16;
	[tilespmem:s14+$0xED50] =	vst v15;
	v20 =	vadd.f32 v23, v20;
	v16 =	vld [tilespmem:s14+$0xD50]  }
0xb3: {  	s17 =	sadd.s32 $0x200, s17;
	v15 =	vld [tilespmem:s16+$0x0];
	v21 =	vadd.f32 v24, v21  }
0xb4: {  	_ =	sdelay $0x1  }
0xb5: {  	v6 =	vsub.f32 v20, v6;
	v7 =	vadd.f32 v17, v7;
	v17 =	vld [tilespmem:s14+$0x3D0]  }
0xb6: {  	v8 =	vsub.f32 v21, v8;
	v11 =	vadd.f32 v18, v11  }
0xb7: {  	v7 =	vsub.f32 v7, v9;
	v9 =	vadd.f32 v19, v13;
	v6 =	vmul.f32 v15, v6  }
0xb8: {  	v11 =	vsub.f32 v11, v12;
	v12 =	vadd.f32 v16, v14;
	v8 =	vmul.f32 v15, v8  }
0xb9: {  	v9 =	vsub.f32 v9, v10;
	v7 =	vmul.f32 v15, v7;
	v6 =	vadd.f32 v6, v5  }
0xba: {  	s29 =	sshra.s32 s15, $0x2;
	v10 =	vmul.f32 v15, v11;
	v11 =	vsub.f32 v12, v17;
	v8 =	vadd.f32 v8, v4  }
0xbb: {  	v9 =	vmul.f32 v15, v9;
	v7 =	vadd.f32 v7, v3;
	[tilespmem:s29+$0xED00] =	vst v6  }
0xbc: {  	v6 =	vadd.f32 v10, v2;
	v10 =	vmul.f32 v15, v11;
	[tilespmem:s29+$0xED10] =	vst v8  }
0xbd: {  	v8 =	vadd.f32 v9, v1;
	[tilespmem:s29+$0xED20] =	vst v7  }
0xbe: {  	v7 =	vadd.f32 v10, v0;
	[tilespmem:s29+$0xED30] =	vst v6  }
0xbf: {  	[tilespmem:s29+$0xED40] =	vst v8  }
0xc0: {  	s30 =	simm.s32 $0x0;
	[tilespmem:s29+$0xED50] =	vst v7  }
0xc1: {  	[hbm4b:s6+s30] =	stream.linear.scatter [tilespmem:s12], [sflag:$0x1], $0xC400, $0x38;
	[tilespmem:$0x1B100] =	vst v63  }
0xc2: {  	_ =	swait.ge [sflag:s11], $0xC400  }
0xc3: {  	[sflag:s11] =	ssyncset.done $0x0  }
0xc4: {  	[sflag:s11] =	ssyncadd.s32 $0xFFFF3C00  }
0xc5: {  	[tilespmem:s30], [sflag:$0x1] =	stream.linear.gather [hbm4b:s7+s30], $0xD400, $0x38;
	[tilespmem:$0x1B100] =	vst v63  }
0xc6: {  	_ =	swait.ge [sflag:s11], $0xD400  }
0xc7: {  	[sflag:s11] =	ssyncset.done $0x0  }
0xc8: {  	[sflag:s11] =	ssyncadd.s32 $0xFFFF2C00  }
0xc9: {  	v6 =	vld [tilespmem:$0x380]  }
0xca: {  	v7 =	vld [tilespmem:$0x390]  }
0xcb: {  	v8 =	vld [tilespmem:$0x3A0]  }
0xcc: {  	v9 =	vld [tilespmem:$0x3B0]  }
0xcd: {  	v10 =	vld [tilespmem:$0x3C0]  }
0xce: {  	v11 =	vld [tilespmem:$0x3D0]  }
0xcf: {  	v12 =	vld [tilespmem:$0x400]  }
0xd0: {  	v13 =	vld [tilespmem:$0x410]  }
0xd1: {  	v14 =	vld [tilespmem:$0x420]  }
0xd2: {  	v15 =	vld [tilespmem:$0x430]  }
0xd3: {  	v16 =	vld [tilespmem:$0x440]  }
0xd4: {  	v17 =	vld [tilespmem:$0x450]  }
0xd5: {  	v18 =	vld [tilespmem:$0x480]  }
0xd6: {  	v19 =	vld [tilespmem:$0x490]  }
0xd7: {  	v20 =	vld [tilespmem:$0x4A0]  }
0xd8: {  	v21 =	vld [tilespmem:$0x4B0]  }
0xd9: {  	v22 =	vld [tilespmem:$0x4C0]  }
0xda: {  	v23 =	vld [tilespmem:$0x4D0]  }
0xdb: {  	v24 =	vld [tilespmem:$0x500]  }
0xdc: {  	v25 =	vld [tilespmem:$0x510]  }
0xdd: {  	v26 =	vld [tilespmem:$0x520]  }
0xde: {  	v27 =	vld [tilespmem:$0x530]  }
0xdf: {  	v28 =	vld [tilespmem:$0x540]  }
0xe0: {  	v29 =	vld [tilespmem:$0x550]  }
0xe1: {  	v30 =	vld [tilespmem:$0x580]  }
0xe2: {  	v31 =	vld [tilespmem:$0x590]  }
0xe3: {  	v32 =	vld [tilespmem:$0x5A0]  }
0xe4: {  	v33 =	vld [tilespmem:$0x5B0]  }
0xe5: {  	v34 =	vld [tilespmem:$0x5C0]  }
0xe6: {  	v35 =	vld [tilespmem:$0x5D0]  }
0xe7: {  	v36 =	vld [tilespmem:$0x600]  }
0xe8: {  	v37 =	vld [tilespmem:$0x610]  }
0xe9: {  	v38 =	vld [tilespmem:$0x620]  }
0xea: {  	v39 =	vld [tilespmem:$0x630]  }
0xeb: {  	v40 =	vld [tilespmem:$0x640]  }
0xec: {  	v41 =	vld [tilespmem:$0x650]  }
0xed: {  	v42 =	vld [tilespmem:$0x680]  }
0xee: {  	v43 =	vld [tilespmem:$0x690]  }
0xef: {  	v44 =	vld [tilespmem:$0x6A0]  }
0xf0: {  	v45 =	vld [tilespmem:$0x6B0]  }
0xf1: {  	v46 =	vld [tilespmem:$0x6C0]  }
0xf2: {  	v47 =	vld [tilespmem:$0x6D0]  }
0xf3: {  	v48 =	vld [tilespmem:$0x700]  }
0xf4: {  	v49 =	vld [tilespmem:$0x710]  }
0xf5: {  	v50 =	vld [tilespmem:$0x720]  }
0xf6: {  	v51 =	vld [tilespmem:$0x730]  }
0xf7: {  	v52 =	vld [tilespmem:$0x740]  }
0xf8: {  	v53 =	vld [tilespmem:$0x750]  }
0xf9: {  	v54 =	vld [tilespmem:$0x780]  }
0xfa: {  	v55 =	vld [tilespmem:$0x790]  }
0xfb: {  	v56 =	vld [tilespmem:$0x7A0]  }
0xfc: {  	v57 =	vld [tilespmem:$0x7B0]  }
0xfd: {  	v58 =	vld [tilespmem:$0x7C0]  }
0xfe: {  	v63 =	vld [tilespmem:$0x830]  }
0xff: {  	v59 =	vld [tilespmem:$0x7D0]  }
0x100: {  	v60 =	vld [tilespmem:$0x800]  }
0x101: {  	v61 =	vld [tilespmem:$0x810]  }
0x102: {  	v62 =	vld [tilespmem:$0x820]  }
0x103: {  	[tilespmem:$0x1FEE0] =	vst v63;
	v63 =	vld [tilespmem:$0x840]  }
0x104: {  	v6 =	vadd.f32 v12, v6;
	v12 =	vld [tilespmem:$0x910]  }
0x105: {  	v7 =	vadd.f32 v13, v7;
	v13 =	vld [tilespmem:$0x920]  }
0x106: {  	v8 =	vadd.f32 v14, v8;
	v14 =	vld [tilespmem:$0x930]  }
0x107: {  	v9 =	vadd.f32 v15, v9;
	v15 =	vld [tilespmem:$0x940]  }
0x108: {  	v10 =	vadd.f32 v16, v10;
	v16 =	vld [tilespmem:$0x950]  }
0x109: {  	v11 =	vadd.f32 v17, v11;
	v17 =	vld [tilespmem:$0x980]  }
0x10a: {  	v6 =	vadd.f32 v18, v6;
	v18 =	vld [tilespmem:$0x990]  }
0x10b: {  	v7 =	vadd.f32 v19, v7;
	v19 =	vld [tilespmem:$0x9A0]  }
0x10c: {  	[tilespmem:$0x1FEF0] =	vst v63;
	v63 =	vld [tilespmem:$0x850]  }
0x10d: {  	v8 =	vadd.f32 v20, v8;
	v20 =	vld [tilespmem:$0x9B0]  }
0x10e: {  	v9 =	vadd.f32 v21, v9;
	v21 =	vld [tilespmem:$0x9C0]  }
0x10f: {  	v10 =	vadd.f32 v22, v10;
	v22 =	vld [tilespmem:$0x9D0]  }
0x110: {  	v11 =	vadd.f32 v23, v11;
	v23 =	vld [tilespmem:$0xA00]  }
0x111: {  	[tilespmem:$0x1FF00] =	vst v63;
	v63 =	vld [tilespmem:$0x880]  }
0x112: {  	v6 =	vadd.f32 v24, v6;
	v24 =	vld [tilespmem:$0xA10]  }
0x113: {  	v7 =	vadd.f32 v25, v7;
	v25 =	vld [tilespmem:$0xA20]  }
0x114: {  	v8 =	vadd.f32 v26, v8;
	v26 =	vld [tilespmem:$0xA30]  }
0x115: {  	v9 =	vadd.f32 v27, v9;
	v27 =	vld [tilespmem:$0xA40]  }
0x116: {  	[tilespmem:$0x1FF10] =	vst v63;
	v63 =	vld [tilespmem:$0x890]  }
0x117: {  	v10 =	vadd.f32 v28, v10;
	v28 =	vld [tilespmem:$0xA50]  }
0x118: {  	v11 =	vadd.f32 v29, v11;
	v29 =	vld [tilespmem:$0xA80]  }
0x119: {  	v6 =	vadd.f32 v30, v6;
	v30 =	vld [tilespmem:$0xA90]  }
0x11a: {  	v7 =	vadd.f32 v31, v7;
	v31 =	vld [tilespmem:$0xAA0]  }
0x11b: {  	[tilespmem:$0x1FF20] =	vst v63;
	v63 =	vld [tilespmem:$0x8A0]  }
0x11c: {  	v8 =	vadd.f32 v32, v8;
	v9 =	vadd.f32 v33, v9;
	v32 =	vld [tilespmem:$0xAB0]  }
0x11d: {  	v10 =	vadd.f32 v34, v10;
	v11 =	vadd.f32 v35, v11;
	v33 =	vld [tilespmem:$0xAC0]  }
0x11e: {  	v34 =	vld [tilespmem:$0xAD0];
	v6 =	vadd.f32 v36, v6;
	v7 =	vadd.f32 v37, v7  }
0x11f: {  	v35 =	vld [tilespmem:$0xB00];
	v9 =	vadd.f32 v39, v9;
	v11 =	vadd.f32 v41, v11  }
0x120: {  	v10 =	vadd.f32 v40, v10;
	v7 =	vadd.f32 v43, v7;
	[tilespmem:$0x1FF30] =	vst v63;
	v63 =	vld [tilespmem:$0x8B0]  }
0x121: {  	v9 =	vadd.f32 v45, v9;
	v11 =	vadd.f32 v47, v11;
	v45 =	vld [tilespmem:$0xB10]  }
0x122: {  	v10 =	vadd.f32 v46, v10;
	v46 =	vld [tilespmem:$0xB20];
	v7 =	vadd.f32 v49, v7  }
0x123: {  	v8 =	vadd.f32 v38, v8;
	v11 =	vadd.f32 v53, v11;
	v53 =	vld [tilespmem:$0x1FF20]  }
0x124: {  	v6 =	vadd.f32 v42, v6;
	v47 =	vld [tilespmem:$0x1FEE0];
	v7 =	vadd.f32 v55, v7  }
0x125: {  	v8 =	vadd.f32 v44, v8;
	[tilespmem:$0x1FF40] =	vst v63;
	v63 =	vld [tilespmem:$0x8C0]  }
0x126: {  	v6 =	vadd.f32 v48, v6;
	v48 =	vld [tilespmem:$0x1FEF0];
	v7 =	vadd.f32 v61, v7  }
0x127: {  	v8 =	vadd.f32 v50, v8;
	v9 =	vadd.f32 v51, v9;
	v49 =	vld [tilespmem:$0xB30]  }
0x128: {  	v6 =	vadd.f32 v54, v6;
	v7 =	vadd.f32 v53, v7;
	v54 =	vld [tilespmem:$0x1FF30]  }
0x129: {  	v10 =	vadd.f32 v52, v10;
	v50 =	vld [tilespmem:$0x1FF00];
	v8 =	vadd.f32 v56, v8  }
0x12a: {  	v9 =	vadd.f32 v57, v9;
	v7 =	vadd.f32 v12, v7;
	[tilespmem:$0x1FF50] =	vst v63;
	v63 =	vld [tilespmem:$0x8D0]  }
0x12b: {  	v52 =	vld [tilespmem:$0xB40];
	v10 =	vadd.f32 v58, v10;
	v8 =	vadd.f32 v62, v8  }
0x12c: {  	v11 =	vadd.f32 v59, v11;
	v7 =	vadd.f32 v18, v7;
	v56 =	vld [tilespmem:$0x1FF40]  }
0x12d: {  	v6 =	vadd.f32 v60, v6;
	v51 =	vld [tilespmem:$0x1FF10];
	v8 =	vadd.f32 v54, v8  }
0x12e: {  	v9 =	vadd.f32 v47, v9;
	v60 =	vld [tilespmem:$0xB90];
	v7 =	vadd.f32 v24, v7  }
0x12f: {  	v10 =	vadd.f32 v48, v10;
	v8 =	vadd.f32 v13, v8;
	[tilespmem:$0x1FF60] =	vst v63;
	v63 =	vld [tilespmem:$0x900]  }
0x130: {  	v55 =	vld [tilespmem:$0xB50];
	v11 =	vadd.f32 v50, v11;
	v7 =	vadd.f32 v30, v7  }
0x131: {  	v8 =	vadd.f32 v19, v8;
	v9 =	vadd.f32 v56, v9;
	v57 =	vld [tilespmem:$0x1FF50]  }
0x132: {  	v58 =	vld [tilespmem:$0xB80];
	v6 =	vadd.f32 v51, v6;
	v7 =	vadd.f32 v45, v7  }
0x133: {  	v12 =	vld [tilespmem:$0xBA0];
	v8 =	vadd.f32 v25, v8;
	v9 =	vadd.f32 v14, v9  }
0x134: {  	v7 =	vadd.f32 v60, v7;
	v59 =	vld [tilespmem:$0x1FF60];
	v6 =	vadd.f32 v63, v6  }
0x135: {  	s31 =	simm.s32 $0xD400;
	v61 =	vld [tilespmem:$0xCA0];
	v8 =	vadd.f32 v31, v8;
	v9 =	vadd.f32 v20, v9  }
0x136: {  	v62 =	vld [tilespmem:s31+$0x0];
	v10 =	vadd.f32 v57, v10;
	v6 =	vadd.f32 v17, v6  }
0x137: {  	v18 =	vld [tilespmem:$0xC20];
	v8 =	vadd.f32 v46, v8;
	v9 =	vadd.f32 v26, v9  }
0x138: {  	v13 =	vld [tilespmem:$0xBB0];
	v10 =	vadd.f32 v15, v10;
	v6 =	vadd.f32 v23, v6  }
0x139: {  	v19 =	vld [tilespmem:$0xC30];
	v8 =	vadd.f32 v12, v8;
	v11 =	vadd.f32 v59, v11  }
0x13a: {  	v14 =	vld [tilespmem:$0xBC0];
	v9 =	vadd.f32 v32, v9;
	v6 =	vadd.f32 v29, v6  }
0x13b: {  	v10 =	vadd.f32 v21, v10;
	v11 =	vadd.f32 v16, v11;
	v16 =	vld [tilespmem:$0xC00]  }
0x13c: {  	v12 =	vadd.f32 v18, v8;
	v17 =	vld [tilespmem:$0xC10];
	v6 =	vadd.f32 v35, v6  }
0x13d: {  	v10 =	vadd.f32 v27, v10;
	v11 =	vadd.f32 v22, v11;
	v22 =	vld [tilespmem:$0xC80]  }
0x13e: {  	v20 =	vld [tilespmem:$0xC40];
	v9 =	vadd.f32 v49, v9;
	v6 =	vadd.f32 v58, v6  }
0x13f: {  	v10 =	vadd.f32 v33, v10;
	v23 =	vld [tilespmem:$0xC90];
	v11 =	vadd.f32 v28, v11  }
0x140: {  	v15 =	vld [tilespmem:$0xBD0];
	v9 =	vadd.f32 v13, v9;
	v6 =	vadd.f32 v16, v6  }
0x141: {  	v21 =	vld [tilespmem:$0xC50];
	v10 =	vadd.f32 v52, v10;
	v11 =	vadd.f32 v34, v11  }
0x142: {  	v7 =	vadd.f32 v17, v7;
	v16 =	vld [tilespmem:$0xCB0];
	v22 =	vadd.f32 v22, v6  }
0x143: {  	v63 =	vld [tilespmem:$0xCC0];
	v10 =	vadd.f32 v14, v10;
	v11 =	vadd.f32 v55, v11  }
0x144: {  	s14 =	simm.s32 $0x0;
	v17 =	vld [tilespmem:$0xCD0];
	v14 =	vadd.f32 v19, v9;
	v23 =	vadd.f32 v23, v7;
	v13 =	vmul.f32 v62, v22  }
0x145: {  	v8 =	vld [tilespmem:s14+$0x390];
	v7 =	vadd.f32 v61, v12;
	v15 =	vadd.f32 v15, v11  }
0x146: {  	v9 =	vld [tilespmem:s14+$0x3A0];
	v19 =	vadd.f32 v20, v10;
	v18 =	vmul.f32 v62, v23;
	v13 =	vadd.f32 v13, v5  }
0x147: {  	v12 =	vld [tilespmem:s14+$0x3B0];
	v15 =	vadd.f32 v21, v15;
	v11 =	vadd.f32 v16, v14;
	v14 =	vmul.f32 v62, v7  }
0x148: {  	v10 =	vld [tilespmem:s14+$0x3C0];
	v16 =	vadd.f32 v18, v4;
	[tilespmem:s14+$0xED00] =	vst v13;
	v13 =	vadd.f32 v63, v19  }
0x149: {  	v20 =	vld [tilespmem:s14+$0xD00];
	v18 =	vmul.f32 v62, v11;
	v19 =	vadd.f32 v14, v3;
	v14 =	vadd.f32 v17, v15  }
0x14a: {  	v6 =	vld [tilespmem:s14+$0x380];
	[tilespmem:s14+$0xED10] =	vst v16;
	v15 =	vmul.f32 v62, v13  }
0x14b: {  	v21 =	vld [tilespmem:s14+$0xD10];
	v16 =	vadd.f32 v18, v2;
	[tilespmem:s14+$0xED20] =	vst v19;
	v19 =	vmul.f32 v62, v14  }
0x14c: {  	v17 =	vld [tilespmem:s14+$0xD20];
	v15 =	vadd.f32 v15, v1  }
0x14d: {  	v18 =	vld [tilespmem:s14+$0xD30];
	[tilespmem:s14+$0xED30] =	vst v16;
	v16 =	vadd.f32 v19, v0  }
0x14e: {  	v19 =	vld [tilespmem:s14+$0xD40];
	[tilespmem:s14+$0xED40] =	vst v15  }
0x14f: {  	s16 =	simm.s32 $0xD410;
	v20 =	vadd.f32 v20, v22;
	[tilespmem:s14+$0xED50] =	vst v16;
	v16 =	vld [tilespmem:s14+$0xD50]  }
0x150: {  	s15 =	simm.s32 $0x200;
	s17 =	simm.s32 $0x400;
	v21 =	vadd.f32 v21, v23;
	v15 =	vld [tilespmem:s16+$0x0]  }
.LBB2_4:
0x151: {  	p0 =	sne.s32 s17, $0x30E00;
	v20 =	vsub.f32 v20, v6;
	v6 =	vadd.f32 v17, v7;
	v17 =	vld [tilespmem:s14+$0x3D0]  }
0x152: {  	v21 =	vsub.f32 v21, v8;
	v8 =	vadd.f32 v18, v11  }
0x153: {  	s14 =	sshra.s32 s15, $0x2;
	s15 =	smov.u32 s17;
	v7 =	vsub.f32 v6, v9;
	v9 =	vadd.f32 v19, v13  }
0x154: {  	v6 =	vld [tilespmem:s14+$0x380];
	v11 =	vsub.f32 v8, v12;
	v12 =	vadd.f32 v16, v14  }
0x155: {  	v16 =	vmul.f32 v15, v20;
	v18 =	vmul.f32 v15, v21;
	v8 =	vld [tilespmem:s14+$0x390];
	v13 =	vsub.f32 v9, v10  }
0x156: {  	v10 =	vmul.f32 v15, v7;
	v19 =	vmul.f32 v15, v11;
	v9 =	vld [tilespmem:s14+$0x3A0];
	v14 =	vsub.f32 v12, v17  }
0x157: {  	v16 =	vadd.f32 v16, v5;
	v17 =	vadd.f32 v18, v4;
	v18 =	vmul.f32 v15, v13;
	v12 =	vld [tilespmem:s14+$0x3B0]  }
0x158: {  	v22 =	vadd.f32 v10, v3;
	v19 =	vadd.f32 v19, v2;
	v15 =	vmul.f32 v15, v14;
	v10 =	vld [tilespmem:s14+$0x3C0]  }
0x159: {  	[tilespmem:s14+$0xED00] =	vst v16;
	v16 =	vadd.f32 v18, v1;
	v23 =	vld [tilespmem:s14+$0xD00]  }
0x15a: {  	[tilespmem:s14+$0xED10] =	vst v17;
	v15 =	vadd.f32 v15, v0;
	v24 =	vld [tilespmem:s14+$0xD10]  }
.Ltmp1:
0x15b: {  	[tilespmem:s14+$0xED20] =	vst v22;
	v17 =	vld [tilespmem:s14+$0xD20];
	(pc) =	sbr.rel @p0 .LBB2_4-.Ltmp1, $4  }
0x15c: {  	[tilespmem:s14+$0xED30] =	vst v19;
	v18 =	vld [tilespmem:s14+$0xD30]  }
0x15d: {  	[tilespmem:s14+$0xED40] =	vst v16;
	v19 =	vld [tilespmem:s14+$0xD40]  }
0x15e: {  	s16 =	sadd.s32 $0x10, s16;
	[tilespmem:s14+$0xED50] =	vst v15;
	v20 =	vadd.f32 v23, v20;
	v16 =	vld [tilespmem:s14+$0xD50]  }
0x15f: {  	s17 =	sadd.s32 $0x200, s17;
	v15 =	vld [tilespmem:s16+$0x0];
	v21 =	vadd.f32 v24, v21  }
0x160: {  	_ =	sdelay $0x1  }
0x161: {  	v6 =	vsub.f32 v20, v6;
	v7 =	vadd.f32 v17, v7;
	v57 =	vld [tilespmem:s14+$0x3D0]  }
0x162: {  	v8 =	vsub.f32 v21, v8;
	v11 =	vadd.f32 v18, v11  }
0x163: {  	v7 =	vsub.f32 v7, v9;
	v58 =	vadd.f32 v19, v13;
	v6 =	vmul.f32 v15, v6  }
0x164: {  	v11 =	vsub.f32 v11, v12;
	v59 =	vadd.f32 v16, v14;
	v8 =	vmul.f32 v15, v8  }
0x165: {  	v9 =	vsub.f32 v58, v10;
	v7 =	vmul.f32 v15, v7;
	v5 =	vadd.f32 v6, v5  }
0x166: {  	s31 =	sshra.s32 s15, $0x2;
	v60 =	vmul.f32 v15, v11;
	v61 =	vsub.f32 v59, v57;
	v4 =	vadd.f32 v8, v4  }
0x167: {  	v62 =	vmul.f32 v15, v9;
	v3 =	vadd.f32 v7, v3;
	[tilespmem:s31+$0xED00] =	vst v5  }
0x168: {  	v2 =	vadd.f32 v60, v2;
	v63 =	vmul.f32 v15, v61;
	[tilespmem:s31+$0xED10] =	vst v4  }
0x169: {  	v1 =	vadd.f32 v62, v1;
	[tilespmem:s31+$0xED20] =	vst v3  }
0x16a: {  	s13 =	sadd.s32 $0x1, s13;
	v0 =	vadd.f32 v63, v0;
	[tilespmem:s31+$0xED30] =	vst v2  }
0x16b: {  	p0 =	sne.s32 s13, s9;
	[tilespmem:s31+$0xED40] =	vst v1  }
.Ltmp2:
0x16c: {  	[tilespmem:s31+$0xED50] =	vst v0;
	(pc) =	sbr.rel @p0 .LBB2_1-.Ltmp2, $4  }
0x16d: {  	[hbm4b:s8+s3] =	stream.linear.scatter [tilespmem:s12], [sflag:$0x1], $0xC400, $0x38;
	[tilespmem:$0x1B100] =	vst v63  }
0x16e: {  	_ =	swait.ge [sflag:s11], $0xC400  }
0x16f: {  	[sflag:s11] =	ssyncset.done $0x0  }
0x170: {  	[sflag:s11] =	ssyncadd.s32 $0xFFFF3C00  }
0x171: {  	_ =	sfence.sel $0x180000  }
0x172: {  	[bflag:$0x0] =	sbarrier.arrive $0xFFFF  }
0x173: {  	p0 =	sne.s32 s0, $0x0;
	_ =	strace $0x90000047  }
0x174: {  	s0 =	sadd.s32 @!p0 $0x100000, s1;
	[bflag:$0x2] =	sbarrier.arrive $0xFFFF  }
0x175: {  	[sflag:s0] =	ssyncadd.tile.s32 @!p0 $0x1;
	_ =	shalt  }
.Lfunc_end2:
_tile_overlayer_lowered:
.L_overlay_start_2:
0x176: {  	(tag) =	ssettag $0x2  }
0x177: {  	s0 =	rddreg [dreg:$0x0];
	s2 =	stileid.u32  }
0x178: {  	s1 =	rddreg [dreg:$0x1];
	p0 =	sne.s32 s2, $0x0  }
0x179: {  	s3 =	rddreg [dreg:$0x2];
	[bflag:$0x3] =	sbarrier.arrive $0xFFFF;
	s2 =	simm.s32 @!p0 $0x1C01  }
0x17a: {  	[timem:s3], [sflag:s2] =	dma.local @!p0 [hbm:s0], s1  }
0x17b: {  	s0 =	simm.s32 @!p0 $0x1  }
0x17c: {  	_ =	swait.ge @!p0 [sflag:s0], s1  }
0x17d: {  	s1 =	ssub.s32 @!p0 $0x0, s1;
	[sflag:s0] =	ssyncset.done @!p0 $0x0  }
0x17e: {  	[sflag:s0] =	ssyncadd.s32 @!p0 s1  }
0x17f: {  	[bflag:$0x3] =	sbarrier.arrive $0xFFFF  }
0x180: {  	_ =	shalt  }

</sc_bundles>
